<compile_context>
chip_gen: v7x
topology: tpu7x:2x2x1
jax: 0.10.2.dev20260603
libtpu: 0.0.44.dev20260713+nightly
codegen_flags: <defaults>
</compile_context>

<pallas_src>
import dataclasses

import jax
import jax.numpy as jnp
from jax.experimental import pallas as pl
from jax.experimental.pallas import tpu as pltpu
from jax.experimental.pallas import tpu_sc as plsc

N_NODES = 100000
N_EDGES = 1600000
D_MODEL = 32

W_NODE = 1000
W_EDGE = 1000
ROLE_VOCAB = 1000
REPLICAS = 32

_CPARAMS = dataclasses.replace(pltpu.CompilerParams(),
                               use_tc_tiling_on_sc=False)


def _mesh():
    return plsc.VectorSubcoreMesh(core_axis_name="core",
                                  subcore_axis_name="subcore")


def kernel(nodes, edges, edge_index, concept_table, role_table):
    del edge_index

    nodes2d = nodes.reshape(N_NODES // W_NODE, W_NODE).astype(jnp.int32)
    edges2d = edges.reshape(N_EDGES // W_EDGE, W_EDGE).astype(jnp.int32)

    role_rep = jnp.tile(role_table, (REPLICAS, 1))
    rep_off = (jnp.arange(W_EDGE, dtype=jnp.int32)[None, :]
               % REPLICAS) * ROLE_VOCAB
    edges2d = edges2d + rep_off

    @pl.kernel(
        out_type=jax.ShapeDtypeStruct((N_NODES + N_EDGES, 128), jnp.float32),
        mesh=_mesh(),
        compiler_params=_CPARAMS,
    )
    def edge_kernel(rt_hbm, e_hbm, o_hbm):
        def edge_body(i_vmem, o_vmem):
            pltpu.sync_copy(rt_hbm.at[i_vmem.at[0]], o_vmem)

        pltpu.emit_pipeline(
            edge_body,
            grid=(N_EDGES // W_EDGE,),
            in_specs=[pl.BlockSpec((1, W_EDGE), index_map=lambda i: (i, 0))],
            out_specs=[pl.BlockSpec((W_EDGE, D_MODEL),
                                    index_map=lambda i: (i + N_NODES // W_EDGE, 0))],
            core_axis_name=("core", "subcore"),
            dimension_semantics=(pltpu.PARALLEL,),
        )(e_hbm, o_hbm)

    @pl.kernel(
        out_type=jax.ShapeDtypeStruct((N_NODES, 128), jnp.float32),
        mesh=_mesh(),
        compiler_params=_CPARAMS,
    )
    def node_kernel(ct_hbm, n_hbm, o_hbm):
        def node_body(i_vmem, o_vmem):
            pltpu.sync_copy(ct_hbm.at[i_vmem.at[0]], o_vmem)

        pltpu.emit_pipeline(
            node_body,
            grid=(N_NODES // W_NODE,),
            in_specs=[pl.BlockSpec((1, W_NODE), index_map=lambda i: (i, 0))],
            out_specs=[pl.BlockSpec((W_NODE, D_MODEL),
                                    index_map=lambda i: (i, 0))],
            core_axis_name=("core", "subcore"),
            dimension_semantics=(pltpu.PARALLEL,),
        )(n_hbm, o_hbm)

    big = edge_kernel(role_rep, edges2d)
    small = node_kernel(concept_table, nodes2d)
    return jax.lax.dynamic_update_slice(
        big[:, :D_MODEL], small[:, :D_MODEL], (0, 0))

# --- scband reference (transcript-rebuilt; emitter-appended) ---
"""Pipeline reference for scband-learned-concept-role-embedding-36215164240854 (READ-ONLY COPY).

The authoritative reference and input builder live on the scoring server;
editing this copy changes nothing except your own understanding.
"""

import jax, jax.numpy as jnp
import numpy as np

CONCEPT_VOCAB = 1000000
ROLE_VOCAB = 1000
D_MODEL = 32
N_NODES = 100000
N_EDGES = 1600000

def setup_inputs(seed: int = 0) -> dict:
    key = jax.random.key(seed)
    k1, k2, k3, k4, k5 = jax.random.split(key, 5)
    nodes = jax.random.randint(k1, (N_NODES,), 0, CONCEPT_VOCAB, dtype=jnp.int64 if jax.config.jax_enable_x64 else jnp.int32)
    edges = jax.random.randint(k2, (N_EDGES,), 0, ROLE_VOCAB, dtype=jnp.int64 if jax.config.jax_enable_x64 else jnp.int32)
    edge_index = jax.random.randint(k3, (2, N_EDGES), 0, N_NODES, dtype=jnp.int64 if jax.config.jax_enable_x64 else jnp.int32)
    concept_table = jax.random.normal(k4, (CONCEPT_VOCAB, D_MODEL), dtype=jnp.float32)
    role_table = jax.random.normal(k5, (ROLE_VOCAB, D_MODEL), dtype=jnp.float32)
    return {"nodes": nodes, "edges": edges, "edge_index": edge_index,
            "concept_table": concept_table, "role_table": role_table}

def reference(nodes, edges, edge_index, concept_table, role_table):
    # Faithful core of the module: two embedding lookups (concepts for nodes,
    # roles for edges). Batch.from_data_list concatenates per-graph node
    # features and edge features; we model the batched graph directly.
    x = jnp.take(concept_table, nodes, axis=0)          # [N, d_model]
    edge_attr = jnp.take(role_table, edges, axis=0)     # [E, d_model]
    # Concatenate learned features into a single output tensor; edge_index is
    # passed through unchanged (integer structure, no compute).
    out = jnp.concatenate([x, edge_attr], axis=0)       # [N+E, d_model]
    return out

if __name__ == "__main__":
    import jax
    _d = setup_inputs()
    print(jax.jit(kernel)(*tuple(_d.values())))

</pallas_src>

<mosaic_0001>
#map = affine_map<(d0, d1) -> (0, 0)>
module attributes {stable_mosaic.version = 14 : i64} {
  func.func @node_kernel(%arg0: i32, %arg1: i32, %arg2: memref<1000000x32xf32, #tpu.memory_space<hbm>>, %arg3: memref<100x1000xi32, #tpu.memory_space<hbm>>, %arg4: memref<100000x128xf32, #tpu.memory_space<hbm>>) attributes {dimension_semantics = [#tpu.dimension_semantics<core_parallel>, #tpu.dimension_semantics<subcore_parallel>], iteration_bounds = array<i64: 2, 16>, scalar_prefetch = 0 : i64, scratch_operands = 0 : i64, tpu.core_type = #tpu.core_type<sc_vector_subcore>, window_params = [{transform_indices = #map}, {transform_indices = #map}, {transform_indices = #map}]} {
    %mul3A = arith.constant 1 : i32
    %mul3A_0 = arith.muli %arg1, %mul3A : i32
    %add3A = arith.constant 0 : i32
    %add3A_1 = arith.addi %add3A, %mul3A_0 : i32
    %mul3A_2 = arith.constant 16 : i32
    %mul3A_3 = arith.muli %arg0, %mul3A_2 : i32
    %add3A_4 = arith.addi %add3A_1, %mul3A_3 : i32
    %lt3A = arith.constant 4 : i32
    %lt3A_5 = arith.cmpi slt, %add3A_4, %lt3A : i32
    %jit3A = arith.constant 4 : i32
    %jit3A_6 = arith.constant 3 : i32
    %select_n3A = arith.select %lt3A_5, %jit3A, %jit3A_6 : i32
    %lt3A_7 = arith.constant 4 : i32
    %lt3A_8 = arith.cmpi slt, %add3A_4, %lt3A_7 : i32
    %mul3A_9 = arith.muli %add3A_4, %select_n3A : i32
    %mul3A_10 = arith.constant 3 : i32
    %mul3A_11 = arith.muli %add3A_4, %mul3A_10 : i32
    %add3A_12 = arith.constant 4 : i32
    %add3A_13 = arith.addi %mul3A_11, %add3A_12 : i32
    %select_n3A_14 = arith.select %lt3A_8, %mul3A_9, %add3A_13 : i32
    %mul3A_15 = arith.constant 1 : i32
    %mul3A_16 = arith.muli %mul3A_15, %select_n3A : i32
    "tpu.region"() ({
      %run_scoped3A = memref.alloca() : memref<2x1x1000xi32, #tpu.memory_space<vmem>>
      %run_scoped3A_17 = tpu.sem_alloc : memref<2x!tpu.dma_semaphore, #tpu.memory_space<semaphore_mem>>
      %run_scoped3A_18 = memref.alloca() : memref<2x1000x32xf32, #tpu.memory_space<vmem>>
      %run_scoped3A_19 = tpu.sem_alloc : memref<2x!tpu.dma_semaphore, #tpu.memory_space<semaphore_mem>>
      %gt3A = arith.constant 0 : i32
      %gt3A_20 = arith.cmpi sgt, %mul3A_16, %gt3A : i32
      %convert_element_type3A = arith.extui %gt3A_20 : i1 to i32
      %cond3A = arith.constant 0 : i32
      %cond3A_21 = arith.cmpi ne, %convert_element_type3A, %cond3A : i32
      scf.if %cond3A_21 {
        %mul3A_22 = arith.constant 1 : i32
        %mul3A_23 = arith.muli %mul3A_22, %select_n3A : i32
        %sub3A = arith.constant 1 : i32
        %sub3A_24 = arith.subi %mul3A_23, %sub3A : i32
        %eq3A = arith.constant 0 : i32
        %eq3A_25 = arith.cmpi eq, %sub3A_24, %eq3A : i32
        %add3A_26 = arith.constant 0 : i32
        %add3A_27 = arith.addi %add3A_26, %select_n3A_14 : i32
        %select_n3A_28 = arith.constant true
        %select_n3A_29 = arith.constant 0 : i32
        %select_n3A_30 = arith.constant -1 : i32
        %select_n3A_31 = arith.select %select_n3A_28, %select_n3A_30, %select_n3A_29 : i32
        %eq3A_32 = arith.constant -1 : i32
        %eq3A_33 = arith.cmpi eq, %select_n3A_31, %eq3A_32 : i32
        %sub3A_34 = arith.constant 1 : i32
        %sub3A_35 = arith.subi %select_n3A, %sub3A_34 : i32
        %select_n3A_36 = arith.select %eq3A_33, %sub3A_35, %select_n3A_31 : i32
        %add3A_37 = arith.addi %select_n3A_36, %select_n3A_14 : i32
        %select_n3A_38 = arith.constant true
        %select_n3A_39 = arith.constant 0 : i32
        %select_n3A_40 = arith.constant 1 : i32
        %select_n3A_41 = arith.select %select_n3A_38, %select_n3A_40, %select_n3A_39 : i32
        %eq3A_42 = arith.cmpi eq, %select_n3A_41, %select_n3A : i32
        %select_n3A_43 = arith.constant 0 : i32
        %select_n3A_44 = arith.select %eq3A_42, %select_n3A_43, %select_n3A_41 : i32
        %add3A_45 = arith.addi %select_n3A_44, %select_n3A_14 : i32
        %add3A_46 = arith.constant 1 : i32
        %add3A_47 = arith.addi %select_n3A_44, %add3A_46 : i32
        %select_n3A_48 = arith.constant true
        %select_n3A_49 = arith.select %select_n3A_48, %add3A_47, %select_n3A_44 : i32
        %eq3A_50 = arith.cmpi eq, %select_n3A_49, %select_n3A : i32
        %select_n3A_51 = arith.constant 0 : i32
        %select_n3A_52 = arith.select %eq3A_50, %select_n3A_51, %select_n3A_49 : i32
        %add3A_53 = arith.addi %select_n3A_52, %select_n3A_14 : i32
        "tpu.trace_start"() <{level = 10 : i32, message = "ep_initialize_0"}> : () -> ()
        %rem3A = arith.constant 0 : i32
        %rem3A_54 = arith.constant 2 : i32
        %rem3A_55 = arith.remui %rem3A, %rem3A_54 : i32
        %mul3A_56 = arith.constant 1 : i32
        %mul3A_57 = arith.muli %mul3A_56, %add3A_27 : i32
        %dma_start3A = arith.constant 0 : i32
        %dma_start3A_58 = arith.constant 0 : i32
        %dma_start3A_59 = tpu.memref_slice %run_scoped3A[%rem3A_55, %dma_start3A, %dma_start3A_58] : memref<2x1x1000xi32, #tpu.memory_space<vmem>> -> memref<1x1x1000xi32, #tpu.memory_space<vmem>>
        %dma_start3A_60 = tpu.memref_squeeze %dma_start3A_59 : memref<1x1x1000xi32, #tpu.memory_space<vmem>> -> memref<1x1000xi32, #tpu.memory_space<vmem>>
        %dma_start3A_61 = arith.constant 0 : i32
        %dma_start3A_62 = tpu.memref_slice %arg3[%mul3A_57, %dma_start3A_61] : memref<100x1000xi32, #tpu.memory_space<hbm>> -> memref<1x1000xi32, #tpu.memory_space<hbm>>
        %dma_start3A_63 = tpu.memref_slice %run_scoped3A_17[%rem3A_55] : memref<2x!tpu.dma_semaphore, #tpu.memory_space<semaphore_mem>> -> memref<1x!tpu.dma_semaphore, #tpu.memory_space<semaphore_mem>>
        %dma_start3A_64 = tpu.memref_squeeze %dma_start3A_63 : memref<1x!tpu.dma_semaphore, #tpu.memory_space<semaphore_mem>> -> memref<!tpu.dma_semaphore, #tpu.memory_space<semaphore_mem>>
        %dma_start3A_65 = arith.constant 0 : i32
        %dma_start3A_66 = arith.constant 0 : i32
        %dma_start3A_67 = tpu.memref_slice %run_scoped3A[%rem3A_55, %dma_start3A_65, %dma_start3A_66] : memref<2x1x1000xi32, #tpu.memory_space<vmem>> -> memref<1x1x1000xi32, #tpu.memory_space<vmem>>
        %dma_start3A_68 = tpu.memref_squeeze %dma_start3A_67 : memref<1x1x1000xi32, #tpu.memory_space<vmem>> -> memref<1x1000xi32, #tpu.memory_space<vmem>>
        %dma_start3A_69 = arith.constant 0 : i32
        %dma_start3A_70 = tpu.memref_slice %arg3[%mul3A_57, %dma_start3A_69] : memref<100x1000xi32, #tpu.memory_space<hbm>> -> memref<1x1000xi32, #tpu.memory_space<hbm>>
        tpu.enqueue_dma source(%dma_start3A_70 : memref<1x1000xi32, #tpu.memory_space<hbm>>) target(%dma_start3A_68 : memref<1x1000xi32, #tpu.memory_space<vmem>>) target_semaphore(%dma_start3A_64 : memref<!tpu.dma_semaphore, #tpu.memory_space<semaphore_mem>>)
        %add3A_71 = arith.constant 0 : i32
        %add3A_72 = arith.constant 1 : i32
        %add3A_73 = arith.addi %add3A_71, %add3A_72 : i32
        %select_n3A_74 = arith.constant true
        %select_n3A_75 = arith.constant 0 : i32
        %select_n3A_76 = arith.select %select_n3A_74, %add3A_73, %select_n3A_75 : i32
        %while3A = arith.constant 0 : i32
        %while3A_77 = arith.constant 0 : i32
        %while3A_78 = arith.constant 0 : i32
        %while3A_79 = arith.constant 0 : i32
        %while3A_80 = arith.constant 0 : i32
        "tpu.trace_stop"() : () -> ()
        %while3A_81 = arith.subi %mul3A_16, %while3A : i32
        %while3A_82 = arith.addi %while3A, %while3A_81 : i32
        %while3A_83 = arith.constant 1 : i32
        %while3A_84 = arith.divsi %while3A_81, %while3A_83 : i32
        %while3A_85 = arith.muli %while3A_84, %while3A_83 : i32
        %while3A_86 = arith.addi %while3A, %while3A_85 : i32
        %while3A_87 = arith.constant 1 : i32
        %while3A_88:5 = scf.for %while3A_142 = %while3A to %while3A_86 step %while3A_87 iter_args(%while3A_143 = %select_n3A_76, %while3A_144 = %while3A_77, %while3A_145 = %while3A_78, %while3A_146 = %while3A_79, %while3A_147 = %while3A_80) -> (i32, i32, i32, i32, i32)  : i32 {
          %mul3A_148 = arith.constant 1 : i32
          %mul3A_149 = arith.muli %mul3A_148, %select_n3A : i32
          %eq3A_150 = arith.constant 0 : i32
          %eq3A_151 = arith.cmpi eq, %while3A_142, %eq3A_150 : i32
          %sub3A_152 = arith.constant 1 : i32
          %sub3A_153 = arith.subi %mul3A_149, %sub3A_152 : i32
          %eq3A_154 = arith.cmpi eq, %while3A_142, %sub3A_153 : i32
          %add3A_155 = arith.addi %while3A_147, %select_n3A_14 : i32
          %sub3A_156 = arith.constant 1 : i32
          %sub3A_157 = arith.subi %while3A_147, %sub3A_156 : i32
          %select_n3A_158 = arith.constant true
          %select_n3A_159 = arith.select %select_n3A_158, %sub3A_157, %while3A_147 : i32
          %eq3A_160 = arith.constant -1 : i32
          %eq3A_161 = arith.cmpi eq, %select_n3A_159, %eq3A_160 : i32
          %sub3A_162 = arith.constant 1 : i32
          %sub3A_163 = arith.subi %select_n3A, %sub3A_162 : i32
          %select_n3A_164 = arith.select %eq3A_161, %sub3A_163, %select_n3A_159 : i32
          %add3A_165 = arith.addi %select_n3A_164, %select_n3A_14 : i32
          %add3A_166 = arith.constant 1 : i32
          %add3A_167 = arith.addi %while3A_147, %add3A_166 : i32
          %select_n3A_168 = arith.constant true
          %select_n3A_169 = arith.select %select_n3A_168, %add3A_167, %while3A_147 : i32
          %eq3A_170 = arith.cmpi eq, %select_n3A_169, %select_n3A : i32
          %select_n3A_171 = arith.constant 0 : i32
          %select_n3A_172 = arith.select %eq3A_170, %select_n3A_171, %select_n3A_169 : i32
          %add3A_173 = arith.addi %select_n3A_172, %select_n3A_14 : i32
          %add3A_174 = arith.constant 1 : i32
          %add3A_175 = arith.addi %select_n3A_172, %add3A_174 : i32
          %select_n3A_176 = arith.constant true
          %select_n3A_177 = arith.select %select_n3A_176, %add3A_175, %select_n3A_172 : i32
          %eq3A_178 = arith.cmpi eq, %select_n3A_177, %select_n3A : i32
          %select_n3A_179 = arith.constant 0 : i32
          %select_n3A_180 = arith.select %eq3A_178, %select_n3A_179, %select_n3A_177 : i32
          %add3A_181 = arith.addi %select_n3A_180, %select_n3A_14 : i32
          %ne3A = arith.cmpi ne, %add3A_155, %add3A_173 : i32
          %or3A = arith.constant false
          %or3A_182 = arith.ori %or3A, %ne3A : i1
          %or3A_183 = arith.constant false
          %or3A_184 = arith.ori %or3A_182, %or3A_183 : i1
          %sub3A_185 = arith.constant 2 : i32
          %sub3A_186 = arith.subi %mul3A_149, %sub3A_185 : i32
          %add3A_187 = arith.constant 1 : i32
          %add3A_188 = arith.addi %sub3A_186, %add3A_187 : i32
          %ge3A = arith.cmpi sge, %while3A_142, %add3A_188 : i32
          %not3A = arith.constant true
          %not3A_189 = arith.xori %ge3A, %not3A : i1
          %and3A = arith.andi %or3A_184, %not3A_189 : i1
          %convert_element_type3A_190 = arith.extui %and3A : i1 to i32
          %cond3A_191 = arith.constant 0 : i32
          %cond3A_192 = arith.cmpi ne, %convert_element_type3A_190, %cond3A_191 : i32
          scf.if %cond3A_192 {
            "tpu.trace_start"() <{level = 10 : i32, message = "ep_copy_in"}> : () -> ()
            %rem3A_304 = arith.constant 2 : i32
            %rem3A_305 = arith.remui %while3A_143, %rem3A_304 : i32
            %mul3A_306 = arith.constant 1 : i32
            %mul3A_307 = arith.muli %mul3A_306, %add3A_173 : i32
            %dma_start3A_308 = arith.constant 0 : i32
            %dma_start3A_309 = arith.constant 0 : i32
            %dma_start3A_310 = tpu.memref_slice %run_scoped3A[%rem3A_305, %dma_start3A_308, %dma_start3A_309] : memref<2x1x1000xi32, #tpu.memory_space<vmem>> -> memref<1x1x1000xi32, #tpu.memory_space<vmem>>
            %dma_start3A_311 = tpu.memref_squeeze %dma_start3A_310 : memref<1x1x1000xi32, #tpu.memory_space<vmem>> -> memref<1x1000xi32, #tpu.memory_space<vmem>>
            %dma_start3A_312 = arith.constant 0 : i32
            %dma_start3A_313 = tpu.memref_slice %arg3[%mul3A_307, %dma_start3A_312] : memref<100x1000xi32, #tpu.memory_space<hbm>> -> memref<1x1000xi32, #tpu.memory_space<hbm>>
            %dma_start3A_314 = tpu.memref_slice %run_scoped3A_17[%rem3A_305] : memref<2x!tpu.dma_semaphore, #tpu.memory_space<semaphore_mem>> -> memref<1x!tpu.dma_semaphore, #tpu.memory_space<semaphore_mem>>
            %dma_start3A_315 = tpu.memref_squeeze %dma_start3A_314 : memref<1x!tpu.dma_semaphore, #tpu.memory_space<semaphore_mem>> -> memref<!tpu.dma_semaphore, #tpu.memory_space<semaphore_mem>>
            %dma_start3A_316 = arith.constant 0 : i32
            %dma_start3A_317 = arith.constant 0 : i32
            %dma_start3A_318 = tpu.memref_slice %run_scoped3A[%rem3A_305, %dma_start3A_316, %dma_start3A_317] : memref<2x1x1000xi32, #tpu.memory_space<vmem>> -> memref<1x1x1000xi32, #tpu.memory_space<vmem>>
            %dma_start3A_319 = tpu.memref_squeeze %dma_start3A_318 : memref<1x1x1000xi32, #tpu.memory_space<vmem>> -> memref<1x1000xi32, #tpu.memory_space<vmem>>
            %dma_start3A_320 = arith.constant 0 : i32
            %dma_start3A_321 = tpu.memref_slice %arg3[%mul3A_307, %dma_start3A_320] : memref<100x1000xi32, #tpu.memory_space<hbm>> -> memref<1x1000xi32, #tpu.memory_space<hbm>>
            tpu.enqueue_dma source(%dma_start3A_321 : memref<1x1000xi32, #tpu.memory_space<hbm>>) target(%dma_start3A_319 : memref<1x1000xi32, #tpu.memory_space<vmem>>) target_semaphore(%dma_start3A_315 : memref<!tpu.dma_semaphore, #tpu.memory_space<semaphore_mem>>)
            "tpu.trace_stop"() : () -> ()
          } else {
          }
          %and3A_193 = arith.constant true
          %and3A_194 = arith.andi %and3A, %and3A_193 : i1
          %add3A_195 = arith.constant 1 : i32
          %add3A_196 = arith.addi %while3A_143, %add3A_195 : i32
          %select_n3A_197 = arith.select %and3A_194, %add3A_196, %while3A_143 : i32
          %ne3A_198 = arith.cmpi ne, %add3A_155, %add3A_173 : i32
          %or3A_199 = arith.constant false
          %or3A_200 = arith.ori %or3A_199, %ne3A_198 : i1
          %or3A_201 = arith.constant false
          %or3A_202 = arith.ori %or3A_200, %or3A_201 : i1
          %sub3A_203 = arith.constant 2 : i32
          %sub3A_204 = arith.subi %mul3A_149, %sub3A_203 : i32
          %add3A_205 = arith.constant 1 : i32
          %add3A_206 = arith.addi %sub3A_204, %add3A_205 : i32
          %ge3A_207 = arith.cmpi sge, %while3A_142, %add3A_206 : i32
          %not3A_208 = arith.constant true
          %not3A_209 = arith.xori %ge3A_207, %not3A_208 : i1
          %and3A_210 = arith.andi %or3A_202, %not3A_209 : i1
          %ne3A_211 = arith.cmpi ne, %add3A_155, %add3A_165 : i32
          %or3A_212 = arith.constant false
          %or3A_213 = arith.ori %or3A_212, %ne3A_211 : i1
          %or3A_214 = arith.constant false
          %or3A_215 = arith.ori %or3A_213, %or3A_214 : i1
          %or3A_216 = arith.ori %or3A_215, %eq3A_151 : i1
          %convert_element_type3A_217 = arith.extui %or3A_216 : i1 to i32
          %cond3A_218 = arith.constant 0 : i32
          %cond3A_219 = arith.cmpi ne, %convert_element_type3A_217, %cond3A_218 : i32
          scf.if %cond3A_219 {
            "tpu.trace_start"() <{level = 10 : i32, message = "ep_wait_in"}> : () -> ()
            %mul3A_304 = arith.constant 1 : i32
            %mul3A_305 = arith.muli %mul3A_304, %add3A_155 : i32
            %rem3A_306 = arith.constant 2 : i32
            %rem3A_307 = arith.remui %while3A_144, %rem3A_306 : i32
            %dma_wait3A = arith.constant 0 : i32
            %dma_wait3A_308 = arith.constant 0 : i32
            %dma_wait3A_309 = tpu.memref_slice %run_scoped3A[%rem3A_307, %dma_wait3A, %dma_wait3A_308] : memref<2x1x1000xi32, #tpu.memory_space<vmem>> -> memref<1x1x1000xi32, #tpu.memory_space<vmem>>
            %dma_wait3A_310 = tpu.memref_squeeze %dma_wait3A_309 : memref<1x1x1000xi32, #tpu.memory_space<vmem>> -> memref<1x1000xi32, #tpu.memory_space<vmem>>
            %dma_wait3A_311 = arith.constant 0 : i32
            %dma_wait3A_312 = tpu.memref_slice %arg3[%mul3A_305, %dma_wait3A_311] : memref<100x1000xi32, #tpu.memory_space<hbm>> -> memref<1x1000xi32, #tpu.memory_space<hbm>>
            %dma_wait3A_313 = tpu.memref_slice %run_scoped3A_17[%rem3A_307] : memref<2x!tpu.dma_semaphore, #tpu.memory_space<semaphore_mem>> -> memref<1x!tpu.dma_semaphore, #tpu.memory_space<semaphore_mem>>
            %dma_wait3A_314 = tpu.memref_squeeze %dma_wait3A_313 : memref<1x!tpu.dma_semaphore, #tpu.memory_space<semaphore_mem>> -> memref<!tpu.dma_semaphore, #tpu.memory_space<semaphore_mem>>
            %dma_wait3A_315 = arith.constant 0 : i32
            %dma_wait3A_316 = arith.constant 0 : i32
            %dma_wait3A_317 = tpu.memref_slice %run_scoped3A[%rem3A_307, %dma_wait3A_315, %dma_wait3A_316] : memref<2x1x1000xi32, #tpu.memory_space<vmem>> -> memref<1x1x1000xi32, #tpu.memory_space<vmem>>
            %dma_wait3A_318 = tpu.memref_squeeze %dma_wait3A_317 : memref<1x1x1000xi32, #tpu.memory_space<vmem>> -> memref<1x1000xi32, #tpu.memory_space<vmem>>
            %dma_wait3A_319 = arith.constant 0 : i32
            %dma_wait3A_320 = tpu.memref_slice %arg3[%mul3A_305, %dma_wait3A_319] : memref<100x1000xi32, #tpu.memory_space<hbm>> -> memref<1x1000xi32, #tpu.memory_space<hbm>>
            tpu.wait_dma2 semaphore(%dma_wait3A_314 : memref<!tpu.dma_semaphore, #tpu.memory_space<semaphore_mem>>) src(%dma_wait3A_320 : memref<1x1000xi32, #tpu.memory_space<hbm>>) dst(%dma_wait3A_318 : memref<1x1000xi32, #tpu.memory_space<vmem>>)
            "tpu.trace_stop"() : () -> ()
          } else {
          }
          %ne3A_220 = arith.cmpi ne, %add3A_155, %add3A_165 : i32
          %or3A_221 = arith.constant false
          %or3A_222 = arith.ori %or3A_221, %ne3A_220 : i1
          %or3A_223 = arith.constant false
          %or3A_224 = arith.ori %or3A_222, %or3A_223 : i1
          %or3A_225 = arith.ori %or3A_224, %eq3A_151 : i1
          %convert_element_type3A_226 = arith.extui %or3A_225 : i1 to i32
          %cond3A_227 = arith.constant 0 : i32
          %cond3A_228 = arith.cmpi ne, %convert_element_type3A_226, %cond3A_227 : i32
          scf.if %cond3A_228 {
          } else {
          }
          %rem3A_229 = arith.constant 2 : i32
          %rem3A_230 = arith.remui %while3A_144, %rem3A_229 : i32
          %rem3A_231 = arith.constant 2 : i32
          %rem3A_232 = arith.remui %while3A_145, %rem3A_231 : i32
          %run_scoped3A_233 = arith.constant 0 : i32
          "tpu.trace_start"() <{level = 10 : i32, message = "ep_run_kernel"}> : () -> ()
          "tpu.region"() ({
            %run_scoped3A_304 = tpu.sem_alloc : memref<!tpu.dma_semaphore, #tpu.memory_space<semaphore_mem>>
            %dma_start3A_305 = arith.constant 0 : i32
            %dma_start3A_306 = arith.constant 0 : i32
            %dma_start3A_307 = tpu.memref_slice %run_scoped3A_18[%rem3A_232, %dma_start3A_305, %dma_start3A_306] : memref<2x1000x32xf32, #tpu.memory_space<vmem>> -> memref<1x1000x32xf32, #tpu.memory_space<vmem>>
            %dma_start3A_308 = tpu.memref_squeeze %dma_start3A_307 : memref<1x1000x32xf32, #tpu.memory_space<vmem>> -> memref<1000x32xf32, #tpu.memory_space<vmem>>
            %dma_start3A_309 = arith.constant 0 : i32
            %dma_start3A_310 = arith.constant 0 : i32
            %dma_start3A_311 = tpu.memref_slice %run_scoped3A[%rem3A_230, %dma_start3A_309, %dma_start3A_310] : memref<2x1x1000xi32, #tpu.memory_space<vmem>> -> memref<1x1x1000xi32, #tpu.memory_space<vmem>>
            %dma_start3A_312 = tpu.memref_squeeze %dma_start3A_311 : memref<1x1x1000xi32, #tpu.memory_space<vmem>> -> memref<1x1000xi32, #tpu.memory_space<vmem>>
            %dma_start3A_313 = arith.constant 0 : i32
            %dma_start3A_314 = tpu.memref_slice %dma_start3A_312[%run_scoped3A_233, %dma_start3A_313] : memref<1x1000xi32, #tpu.memory_space<vmem>> -> memref<1x1000xi32, #tpu.memory_space<vmem>>
            %dma_start3A_315 = tpu.memref_squeeze %dma_start3A_314 : memref<1x1000xi32, #tpu.memory_space<vmem>> -> memref<1000xi32, #tpu.memory_space<vmem>>
            %dma_start3A_316 = arith.constant 0 : i32
            %dma_start3A_317 = arith.constant 0 : i32
            %dma_start3A_318 = tpu.memref_slice %arg2[%dma_start3A_316, %dma_start3A_317] : memref<1000000x32xf32, #tpu.memory_space<hbm>> -> memref<1000000x32xf32, #tpu.memory_space<hbm>>
            tpu.enqueue_indirect_dma source(%dma_start3A_318 : memref<1000000x32xf32, #tpu.memory_space<hbm>>) target(%dma_start3A_308 : memref<1000x32xf32, #tpu.memory_space<vmem>>) offsets(%dma_start3A_315 : memref<1000xi32, #tpu.memory_space<vmem>>) semaphore(%run_scoped3A_304 : memref<!tpu.dma_semaphore, #tpu.memory_space<semaphore_mem>>)
            %dma_wait3A = arith.constant 0 : i32
            %dma_wait3A_319 = arith.constant 0 : i32
            %dma_wait3A_320 = tpu.memref_slice %run_scoped3A_18[%rem3A_232, %dma_wait3A, %dma_wait3A_319] : memref<2x1000x32xf32, #tpu.memory_space<vmem>> -> memref<1x1000x32xf32, #tpu.memory_space<vmem>>
            %dma_wait3A_321 = tpu.memref_squeeze %dma_wait3A_320 : memref<1x1000x32xf32, #tpu.memory_space<vmem>> -> memref<1000x32xf32, #tpu.memory_space<vmem>>
            %dma_wait3A_322 = arith.constant 0 : i32
            %dma_wait3A_323 = arith.constant 0 : i32
            %dma_wait3A_324 = tpu.memref_slice %run_scoped3A[%rem3A_230, %dma_wait3A_322, %dma_wait3A_323] : memref<2x1x1000xi32, #tpu.memory_space<vmem>> -> memref<1x1x1000xi32, #tpu.memory_space<vmem>>
            %dma_wait3A_325 = tpu.memref_squeeze %dma_wait3A_324 : memref<1x1x1000xi32, #tpu.memory_space<vmem>> -> memref<1x1000xi32, #tpu.memory_space<vmem>>
            %dma_wait3A_326 = arith.constant 0 : i32
            %dma_wait3A_327 = tpu.memref_slice %dma_wait3A_325[%run_scoped3A_233, %dma_wait3A_326] : memref<1x1000xi32, #tpu.memory_space<vmem>> -> memref<1x1000xi32, #tpu.memory_space<vmem>>
            %dma_wait3A_328 = tpu.memref_squeeze %dma_wait3A_327 : memref<1x1000xi32, #tpu.memory_space<vmem>> -> memref<1000xi32, #tpu.memory_space<vmem>>
            %dma_wait3A_329 = arith.constant 0 : i32
            %dma_wait3A_330 = arith.constant 0 : i32
            %dma_wait3A_331 = tpu.memref_slice %arg2[%dma_wait3A_329, %dma_wait3A_330] : memref<1000000x32xf32, #tpu.memory_space<hbm>> -> memref<1000000x32xf32, #tpu.memory_space<hbm>>
            tpu.wait_indirect_dma semaphore(%run_scoped3A_304 : memref<!tpu.dma_semaphore, #tpu.memory_space<semaphore_mem>>) src(%dma_wait3A_331 : memref<1000000x32xf32, #tpu.memory_space<hbm>>) dst(%dma_wait3A_321 : memref<1000x32xf32, #tpu.memory_space<vmem>>)
            tpu.yield
          }) : () -> ()
          "tpu.trace_stop"() : () -> ()
          %ne3A_234 = arith.cmpi ne, %add3A_155, %add3A_173 : i32
          %or3A_235 = arith.constant false
          %or3A_236 = arith.ori %or3A_235, %ne3A_234 : i1
          %or3A_237 = arith.constant false
          %or3A_238 = arith.ori %or3A_236, %or3A_237 : i1
          %or3A_239 = arith.ori %or3A_238, %eq3A_154 : i1
          %convert_element_type3A_240 = arith.extui %or3A_239 : i1 to i32
          %cond3A_241 = arith.constant 0 : i32
          %cond3A_242 = arith.cmpi ne, %convert_element_type3A_240, %cond3A_241 : i32
          scf.if %cond3A_242 {
          } else {
          }
          %and3A_243 = arith.constant false
          %and3A_244 = arith.andi %or3A_239, %and3A_243 : i1
          %ne3A_245 = arith.cmpi ne, %add3A_155, %add3A_173 : i32
          %or3A_246 = arith.constant false
          %or3A_247 = arith.ori %or3A_246, %ne3A_245 : i1
          %or3A_248 = arith.constant false
          %or3A_249 = arith.ori %or3A_247, %or3A_248 : i1
          %or3A_250 = arith.ori %or3A_249, %eq3A_154 : i1
          %convert_element_type3A_251 = arith.extui %or3A_250 : i1 to i32
          %cond3A_252 = arith.constant 0 : i32
          %cond3A_253 = arith.cmpi ne, %convert_element_type3A_251, %cond3A_252 : i32
          scf.if %cond3A_253 {
            "tpu.trace_start"() <{level = 10 : i32, message = "ep_copy_out"}> : () -> ()
            %rem3A_304 = arith.constant 2 : i32
            %rem3A_305 = arith.remui %while3A_145, %rem3A_304 : i32
            %mul3A_306 = arith.constant 1000 : i32
            %mul3A_307 = arith.muli %mul3A_306, %add3A_155 : i32
            %dma_start3A_308 = arith.constant 0 : i32
            %dma_start3A_309 = arith.constant 0 : i32
            %dma_start3A_310 = tpu.memref_slice %run_scoped3A_18[%rem3A_305, %dma_start3A_308, %dma_start3A_309] : memref<2x1000x32xf32, #tpu.memory_space<vmem>> -> memref<1x1000x32xf32, #tpu.memory_space<vmem>>
            %dma_start3A_311 = tpu.memref_squeeze %dma_start3A_310 : memref<1x1000x32xf32, #tpu.memory_space<vmem>> -> memref<1000x32xf32, #tpu.memory_space<vmem>>
            %dma_start3A_312 = arith.constant 0 : i32
            %dma_start3A_313 = tpu.memref_slice %arg4[%mul3A_307, %dma_start3A_312] : memref<100000x128xf32, #tpu.memory_space<hbm>> -> memref<1000x32xf32, #tpu.memory_space<hbm>>
            %dma_start3A_314 = tpu.memref_slice %run_scoped3A_19[%rem3A_305] : memref<2x!tpu.dma_semaphore, #tpu.memory_space<semaphore_mem>> -> memref<1x!tpu.dma_semaphore, #tpu.memory_space<semaphore_mem>>
            %dma_start3A_315 = tpu.memref_squeeze %dma_start3A_314 : memref<1x!tpu.dma_semaphore, #tpu.memory_space<semaphore_mem>> -> memref<!tpu.dma_semaphore, #tpu.memory_space<semaphore_mem>>
            %dma_start3A_316 = arith.constant 0 : i32
            %dma_start3A_317 = tpu.memref_slice %arg4[%mul3A_307, %dma_start3A_316] : memref<100000x128xf32, #tpu.memory_space<hbm>> -> memref<1000x32xf32, #tpu.memory_space<hbm>>
            %dma_start3A_318 = arith.constant 0 : i32
            %dma_start3A_319 = arith.constant 0 : i32
            %dma_start3A_320 = tpu.memref_slice %run_scoped3A_18[%rem3A_305, %dma_start3A_318, %dma_start3A_319] : memref<2x1000x32xf32, #tpu.memory_space<vmem>> -> memref<1x1000x32xf32, #tpu.memory_space<vmem>>
            %dma_start3A_321 = tpu.memref_squeeze %dma_start3A_320 : memref<1x1000x32xf32, #tpu.memory_space<vmem>> -> memref<1000x32xf32, #tpu.memory_space<vmem>>
            tpu.enqueue_dma source(%dma_start3A_321 : memref<1000x32xf32, #tpu.memory_space<vmem>>) target(%dma_start3A_317 : memref<1000x32xf32, #tpu.memory_space<hbm>>) target_semaphore(%dma_start3A_315 : memref<!tpu.dma_semaphore, #tpu.memory_space<semaphore_mem>>)
            "tpu.trace_stop"() : () -> ()
          } else {
          }
          %and3A_254 = arith.constant true
          %and3A_255 = arith.andi %or3A_250, %and3A_254 : i1
          %add3A_256 = arith.constant 1 : i32
          %add3A_257 = arith.addi %while3A_145, %add3A_256 : i32
          %select_n3A_258 = arith.select %and3A_255, %add3A_257, %while3A_145 : i32
          %ne3A_259 = arith.cmpi ne, %add3A_155, %add3A_165 : i32
          %or3A_260 = arith.constant false
          %or3A_261 = arith.ori %or3A_260, %ne3A_259 : i1
          %or3A_262 = arith.constant false
          %or3A_263 = arith.ori %or3A_261, %or3A_262 : i1
          %not3A_264 = arith.constant true
          %not3A_265 = arith.xori %eq3A_151, %not3A_264 : i1
          %and3A_266 = arith.andi %or3A_263, %not3A_265 : i1
          %convert_element_type3A_267 = arith.extui %and3A_266 : i1 to i32
          %cond3A_268 = arith.constant 0 : i32
          %cond3A_269 = arith.cmpi ne, %convert_element_type3A_267, %cond3A_268 : i32
          scf.if %cond3A_269 {
          } else {
          }
          %and3A_270 = arith.constant false
          %and3A_271 = arith.andi %and3A_266, %and3A_270 : i1
          %ne3A_272 = arith.cmpi ne, %add3A_155, %add3A_165 : i32
          %or3A_273 = arith.constant false
          %or3A_274 = arith.ori %or3A_273, %ne3A_272 : i1
          %or3A_275 = arith.constant false
          %or3A_276 = arith.ori %or3A_274, %or3A_275 : i1
          %not3A_277 = arith.constant true
          %not3A_278 = arith.xori %eq3A_151, %not3A_277 : i1
          %and3A_279 = arith.andi %or3A_276, %not3A_278 : i1
          %convert_element_type3A_280 = arith.extui %and3A_279 : i1 to i32
          %cond3A_281 = arith.constant 0 : i32
          %cond3A_282 = arith.cmpi ne, %convert_element_type3A_280, %cond3A_281 : i32
          scf.if %cond3A_282 {
            "tpu.trace_start"() <{level = 10 : i32, message = "ep_wait_out"}> : () -> ()
            %rem3A_304 = arith.constant 2 : i32
            %rem3A_305 = arith.remui %while3A_146, %rem3A_304 : i32
            %mul3A_306 = arith.constant 1000 : i32
            %mul3A_307 = arith.muli %mul3A_306, %add3A_165 : i32
            %dma_wait3A = arith.constant 0 : i32
            %dma_wait3A_308 = arith.constant 0 : i32
            %dma_wait3A_309 = tpu.memref_slice %run_scoped3A_18[%rem3A_305, %dma_wait3A, %dma_wait3A_308] : memref<2x1000x32xf32, #tpu.memory_space<vmem>> -> memref<1x1000x32xf32, #tpu.memory_space<vmem>>
            %dma_wait3A_310 = tpu.memref_squeeze %dma_wait3A_309 : memref<1x1000x32xf32, #tpu.memory_space<vmem>> -> memref<1000x32xf32, #tpu.memory_space<vmem>>
            %dma_wait3A_311 = arith.constant 0 : i32
            %dma_wait3A_312 = tpu.memref_slice %arg4[%mul3A_307, %dma_wait3A_311] : memref<100000x128xf32, #tpu.memory_space<hbm>> -> memref<1000x32xf32, #tpu.memory_space<hbm>>
            %dma_wait3A_313 = tpu.memref_slice %run_scoped3A_19[%rem3A_305] : memref<2x!tpu.dma_semaphore, #tpu.memory_space<semaphore_mem>> -> memref<1x!tpu.dma_semaphore, #tpu.memory_space<semaphore_mem>>
            %dma_wait3A_314 = tpu.memref_squeeze %dma_wait3A_313 : memref<1x!tpu.dma_semaphore, #tpu.memory_space<semaphore_mem>> -> memref<!tpu.dma_semaphore, #tpu.memory_space<semaphore_mem>>
            %dma_wait3A_315 = arith.constant 0 : i32
            %dma_wait3A_316 = tpu.memref_slice %arg4[%mul3A_307, %dma_wait3A_315] : memref<100000x128xf32, #tpu.memory_space<hbm>> -> memref<1000x32xf32, #tpu.memory_space<hbm>>
            %dma_wait3A_317 = arith.constant 0 : i32
            %dma_wait3A_318 = arith.constant 0 : i32
            %dma_wait3A_319 = tpu.memref_slice %run_scoped3A_18[%rem3A_305, %dma_wait3A_317, %dma_wait3A_318] : memref<2x1000x32xf32, #tpu.memory_space<vmem>> -> memref<1x1000x32xf32, #tpu.memory_space<vmem>>
            %dma_wait3A_320 = tpu.memref_squeeze %dma_wait3A_319 : memref<1x1000x32xf32, #tpu.memory_space<vmem>> -> memref<1000x32xf32, #tpu.memory_space<vmem>>
            tpu.wait_dma2 semaphore(%dma_wait3A_314 : memref<!tpu.dma_semaphore, #tpu.memory_space<semaphore_mem>>) src(%dma_wait3A_320 : memref<1000x32xf32, #tpu.memory_space<vmem>>) dst(%dma_wait3A_316 : memref<1000x32xf32, #tpu.memory_space<hbm>>)
            "tpu.trace_stop"() : () -> ()
          } else {
          }
          %and3A_283 = arith.constant true
          %and3A_284 = arith.andi %and3A_279, %and3A_283 : i1
          %add3A_285 = arith.constant 1 : i32
          %add3A_286 = arith.addi %while3A_146, %add3A_285 : i32
          %select_n3A_287 = arith.select %and3A_284, %add3A_286, %while3A_146 : i32
          %ne3A_288 = arith.cmpi ne, %add3A_155, %add3A_173 : i32
          %or3A_289 = arith.constant false
          %or3A_290 = arith.ori %or3A_289, %ne3A_288 : i1
          %or3A_291 = arith.constant false
          %or3A_292 = arith.ori %or3A_290, %or3A_291 : i1
          %or3A_293 = arith.ori %or3A_292, %eq3A_154 : i1
          %add3A_294 = arith.constant 1 : i32
          %add3A_295 = arith.addi %while3A_144, %add3A_294 : i32
          %select_n3A_296 = arith.select %or3A_293, %add3A_295, %while3A_144 : i32
          %add3A_297 = arith.constant 1 : i32
          %add3A_298 = arith.addi %while3A_147, %add3A_297 : i32
          %select_n3A_299 = arith.constant true
          %select_n3A_300 = arith.select %select_n3A_299, %add3A_298, %while3A_147 : i32
          %eq3A_301 = arith.cmpi eq, %select_n3A_300, %select_n3A : i32
          %select_n3A_302 = arith.constant 0 : i32
          %select_n3A_303 = arith.select %eq3A_301, %select_n3A_302, %select_n3A_300 : i32
          scf.yield %select_n3A_197, %select_n3A_296, %select_n3A_258, %select_n3A_287, %select_n3A_303 : i32, i32, i32, i32, i32
        }
        %while3A_89 = arith.constant 1 : i32
        %while3A_90:5 = scf.for %while3A_142 = %while3A_86 to %while3A_82 step %while3A_89 iter_args(%while3A_143 = %while3A_88#0, %while3A_144 = %while3A_88#1, %while3A_145 = %while3A_88#2, %while3A_146 = %while3A_88#3, %while3A_147 = %while3A_88#4) -> (i32, i32, i32, i32, i32)  : i32 {
          %mul3A_148 = arith.constant 1 : i32
          %mul3A_149 = arith.muli %mul3A_148, %select_n3A : i32
          %eq3A_150 = arith.constant 0 : i32
          %eq3A_151 = arith.cmpi eq, %while3A_142, %eq3A_150 : i32
          %sub3A_152 = arith.constant 1 : i32
          %sub3A_153 = arith.subi %mul3A_149, %sub3A_152 : i32
          %eq3A_154 = arith.cmpi eq, %while3A_142, %sub3A_153 : i32
          %add3A_155 = arith.addi %while3A_147, %select_n3A_14 : i32
          %sub3A_156 = arith.constant 1 : i32
          %sub3A_157 = arith.subi %while3A_147, %sub3A_156 : i32
          %select_n3A_158 = arith.constant true
          %select_n3A_159 = arith.select %select_n3A_158, %sub3A_157, %while3A_147 : i32
          %eq3A_160 = arith.constant -1 : i32
          %eq3A_161 = arith.cmpi eq, %select_n3A_159, %eq3A_160 : i32
          %sub3A_162 = arith.constant 1 : i32
          %sub3A_163 = arith.subi %select_n3A, %sub3A_162 : i32
          %select_n3A_164 = arith.select %eq3A_161, %sub3A_163, %select_n3A_159 : i32
          %add3A_165 = arith.addi %select_n3A_164, %select_n3A_14 : i32
          %add3A_166 = arith.constant 1 : i32
          %add3A_167 = arith.addi %while3A_147, %add3A_166 : i32
          %select_n3A_168 = arith.constant true
          %select_n3A_169 = arith.select %select_n3A_168, %add3A_167, %while3A_147 : i32
          %eq3A_170 = arith.cmpi eq, %select_n3A_169, %select_n3A : i32
          %select_n3A_171 = arith.constant 0 : i32
          %select_n3A_172 = arith.select %eq3A_170, %select_n3A_171, %select_n3A_169 : i32
          %add3A_173 = arith.addi %select_n3A_172, %select_n3A_14 : i32
          %add3A_174 = arith.constant 1 : i32
          %add3A_175 = arith.addi %select_n3A_172, %add3A_174 : i32
          %select_n3A_176 = arith.constant true
          %select_n3A_177 = arith.select %select_n3A_176, %add3A_175, %select_n3A_172 : i32
          %eq3A_178 = arith.cmpi eq, %select_n3A_177, %select_n3A : i32
          %select_n3A_179 = arith.constant 0 : i32
          %select_n3A_180 = arith.select %eq3A_178, %select_n3A_179, %select_n3A_177 : i32
          %add3A_181 = arith.addi %select_n3A_180, %select_n3A_14 : i32
          %ne3A = arith.cmpi ne, %add3A_155, %add3A_173 : i32
          %or3A = arith.constant false
          %or3A_182 = arith.ori %or3A, %ne3A : i1
          %or3A_183 = arith.constant false
          %or3A_184 = arith.ori %or3A_182, %or3A_183 : i1
          %sub3A_185 = arith.constant 2 : i32
          %sub3A_186 = arith.subi %mul3A_149, %sub3A_185 : i32
          %add3A_187 = arith.constant 1 : i32
          %add3A_188 = arith.addi %sub3A_186, %add3A_187 : i32
          %ge3A = arith.cmpi sge, %while3A_142, %add3A_188 : i32
          %not3A = arith.constant true
          %not3A_189 = arith.xori %ge3A, %not3A : i1
          %and3A = arith.andi %or3A_184, %not3A_189 : i1
          %convert_element_type3A_190 = arith.extui %and3A : i1 to i32
          %cond3A_191 = arith.constant 0 : i32
          %cond3A_192 = arith.cmpi ne, %convert_element_type3A_190, %cond3A_191 : i32
          scf.if %cond3A_192 {
            "tpu.trace_start"() <{level = 10 : i32, message = "ep_copy_in"}> : () -> ()
            %rem3A_304 = arith.constant 2 : i32
            %rem3A_305 = arith.remui %while3A_143, %rem3A_304 : i32
            %mul3A_306 = arith.constant 1 : i32
            %mul3A_307 = arith.muli %mul3A_306, %add3A_173 : i32
            %dma_start3A_308 = arith.constant 0 : i32
            %dma_start3A_309 = arith.constant 0 : i32
            %dma_start3A_310 = tpu.memref_slice %run_scoped3A[%rem3A_305, %dma_start3A_308, %dma_start3A_309] : memref<2x1x1000xi32, #tpu.memory_space<vmem>> -> memref<1x1x1000xi32, #tpu.memory_space<vmem>>
            %dma_start3A_311 = tpu.memref_squeeze %dma_start3A_310 : memref<1x1x1000xi32, #tpu.memory_space<vmem>> -> memref<1x1000xi32, #tpu.memory_space<vmem>>
            %dma_start3A_312 = arith.constant 0 : i32
            %dma_start3A_313 = tpu.memref_slice %arg3[%mul3A_307, %dma_start3A_312] : memref<100x1000xi32, #tpu.memory_space<hbm>> -> memref<1x1000xi32, #tpu.memory_space<hbm>>
            %dma_start3A_314 = tpu.memref_slice %run_scoped3A_17[%rem3A_305] : memref<2x!tpu.dma_semaphore, #tpu.memory_space<semaphore_mem>> -> memref<1x!tpu.dma_semaphore, #tpu.memory_space<semaphore_mem>>
            %dma_start3A_315 = tpu.memref_squeeze %dma_start3A_314 : memref<1x!tpu.dma_semaphore, #tpu.memory_space<semaphore_mem>> -> memref<!tpu.dma_semaphore, #tpu.memory_space<semaphore_mem>>
            %dma_start3A_316 = arith.constant 0 : i32
            %dma_start3A_317 = arith.constant 0 : i32
            %dma_start3A_318 = tpu.memref_slice %run_scoped3A[%rem3A_305, %dma_start3A_316, %dma_start3A_317] : memref<2x1x1000xi32, #tpu.memory_space<vmem>> -> memref<1x1x1000xi32, #tpu.memory_space<vmem>>
            %dma_start3A_319 = tpu.memref_squeeze %dma_start3A_318 : memref<1x1x1000xi32, #tpu.memory_space<vmem>> -> memref<1x1000xi32, #tpu.memory_space<vmem>>
            %dma_start3A_320 = arith.constant 0 : i32
            %dma_start3A_321 = tpu.memref_slice %arg3[%mul3A_307, %dma_start3A_320] : memref<100x1000xi32, #tpu.memory_space<hbm>> -> memref<1x1000xi32, #tpu.memory_space<hbm>>
            tpu.enqueue_dma source(%dma_start3A_321 : memref<1x1000xi32, #tpu.memory_space<hbm>>) target(%dma_start3A_319 : memref<1x1000xi32, #tpu.memory_space<vmem>>) target_semaphore(%dma_start3A_315 : memref<!tpu.dma_semaphore, #tpu.memory_space<semaphore_mem>>)
            "tpu.trace_stop"() : () -> ()
          } else {
          }
          %and3A_193 = arith.constant true
          %and3A_194 = arith.andi %and3A, %and3A_193 : i1
          %add3A_195 = arith.constant 1 : i32
          %add3A_196 = arith.addi %while3A_143, %add3A_195 : i32
          %select_n3A_197 = arith.select %and3A_194, %add3A_196, %while3A_143 : i32
          %ne3A_198 = arith.cmpi ne, %add3A_155, %add3A_173 : i32
          %or3A_199 = arith.constant false
          %or3A_200 = arith.ori %or3A_199, %ne3A_198 : i1
          %or3A_201 = arith.constant false
          %or3A_202 = arith.ori %or3A_200, %or3A_201 : i1
          %sub3A_203 = arith.constant 2 : i32
          %sub3A_204 = arith.subi %mul3A_149, %sub3A_203 : i32
          %add3A_205 = arith.constant 1 : i32
          %add3A_206 = arith.addi %sub3A_204, %add3A_205 : i32
          %ge3A_207 = arith.cmpi sge, %while3A_142, %add3A_206 : i32
          %not3A_208 = arith.constant true
          %not3A_209 = arith.xori %ge3A_207, %not3A_208 : i1
          %and3A_210 = arith.andi %or3A_202, %not3A_209 : i1
          %ne3A_211 = arith.cmpi ne, %add3A_155, %add3A_165 : i32
          %or3A_212 = arith.constant false
          %or3A_213 = arith.ori %or3A_212, %ne3A_211 : i1
          %or3A_214 = arith.constant false
          %or3A_215 = arith.ori %or3A_213, %or3A_214 : i1
          %or3A_216 = arith.ori %or3A_215, %eq3A_151 : i1
          %convert_element_type3A_217 = arith.extui %or3A_216 : i1 to i32
          %cond3A_218 = arith.constant 0 : i32
          %cond3A_219 = arith.cmpi ne, %convert_element_type3A_217, %cond3A_218 : i32
          scf.if %cond3A_219 {
            "tpu.trace_start"() <{level = 10 : i32, message = "ep_wait_in"}> : () -> ()
            %mul3A_304 = arith.constant 1 : i32
            %mul3A_305 = arith.muli %mul3A_304, %add3A_155 : i32
            %rem3A_306 = arith.constant 2 : i32
            %rem3A_307 = arith.remui %while3A_144, %rem3A_306 : i32
            %dma_wait3A = arith.constant 0 : i32
            %dma_wait3A_308 = arith.constant 0 : i32
            %dma_wait3A_309 = tpu.memref_slice %run_scoped3A[%rem3A_307, %dma_wait3A, %dma_wait3A_308] : memref<2x1x1000xi32, #tpu.memory_space<vmem>> -> memref<1x1x1000xi32, #tpu.memory_space<vmem>>
            %dma_wait3A_310 = tpu.memref_squeeze %dma_wait3A_309 : memref<1x1x1000xi32, #tpu.memory_space<vmem>> -> memref<1x1000xi32, #tpu.memory_space<vmem>>
            %dma_wait3A_311 = arith.constant 0 : i32
            %dma_wait3A_312 = tpu.memref_slice %arg3[%mul3A_305, %dma_wait3A_311] : memref<100x1000xi32, #tpu.memory_space<hbm>> -> memref<1x1000xi32, #tpu.memory_space<hbm>>
            %dma_wait3A_313 = tpu.memref_slice %run_scoped3A_17[%rem3A_307] : memref<2x!tpu.dma_semaphore, #tpu.memory_space<semaphore_mem>> -> memref<1x!tpu.dma_semaphore, #tpu.memory_space<semaphore_mem>>
            %dma_wait3A_314 = tpu.memref_squeeze %dma_wait3A_313 : memref<1x!tpu.dma_semaphore, #tpu.memory_space<semaphore_mem>> -> memref<!tpu.dma_semaphore, #tpu.memory_space<semaphore_mem>>
            %dma_wait3A_315 = arith.constant 0 : i32
            %dma_wait3A_316 = arith.constant 0 : i32
            %dma_wait3A_317 = tpu.memref_slice %run_scoped3A[%rem3A_307, %dma_wait3A_315, %dma_wait3A_316] : memref<2x1x1000xi32, #tpu.memory_space<vmem>> -> memref<1x1x1000xi32, #tpu.memory_space<vmem>>
            %dma_wait3A_318 = tpu.memref_squeeze %dma_wait3A_317 : memref<1x1x1000xi32, #tpu.memory_space<vmem>> -> memref<1x1000xi32, #tpu.memory_space<vmem>>
            %dma_wait3A_319 = arith.constant 0 : i32
            %dma_wait3A_320 = tpu.memref_slice %arg3[%mul3A_305, %dma_wait3A_319] : memref<100x1000xi32, #tpu.memory_space<hbm>> -> memref<1x1000xi32, #tpu.memory_space<hbm>>
            tpu.wait_dma2 semaphore(%dma_wait3A_314 : memref<!tpu.dma_semaphore, #tpu.memory_space<semaphore_mem>>) src(%dma_wait3A_320 : memref<1x1000xi32, #tpu.memory_space<hbm>>) dst(%dma_wait3A_318 : memref<1x1000xi32, #tpu.memory_space<vmem>>)
            "tpu.trace_stop"() : () -> ()
          } else {
          }
          %ne3A_220 = arith.cmpi ne, %add3A_155, %add3A_165 : i32
          %or3A_221 = arith.constant false
          %or3A_222 = arith.ori %or3A_221, %ne3A_220 : i1
          %or3A_223 = arith.constant false
          %or3A_224 = arith.ori %or3A_222, %or3A_223 : i1
          %or3A_225 = arith.ori %or3A_224, %eq3A_151 : i1
          %convert_element_type3A_226 = arith.extui %or3A_225 : i1 to i32
          %cond3A_227 = arith.constant 0 : i32
          %cond3A_228 = arith.cmpi ne, %convert_element_type3A_226, %cond3A_227 : i32
          scf.if %cond3A_228 {
          } else {
          }
          %rem3A_229 = arith.constant 2 : i32
          %rem3A_230 = arith.remui %while3A_144, %rem3A_229 : i32
          %rem3A_231 = arith.constant 2 : i32
          %rem3A_232 = arith.remui %while3A_145, %rem3A_231 : i32
          %run_scoped3A_233 = arith.constant 0 : i32
          "tpu.trace_start"() <{level = 10 : i32, message = "ep_run_kernel"}> : () -> ()
          "tpu.region"() ({
            %run_scoped3A_304 = tpu.sem_alloc : memref<!tpu.dma_semaphore, #tpu.memory_space<semaphore_mem>>
            %dma_start3A_305 = arith.constant 0 : i32
            %dma_start3A_306 = arith.constant 0 : i32
            %dma_start3A_307 = tpu.memref_slice %run_scoped3A_18[%rem3A_232, %dma_start3A_305, %dma_start3A_306] : memref<2x1000x32xf32, #tpu.memory_space<vmem>> -> memref<1x1000x32xf32, #tpu.memory_space<vmem>>
            %dma_start3A_308 = tpu.memref_squeeze %dma_start3A_307 : memref<1x1000x32xf32, #tpu.memory_space<vmem>> -> memref<1000x32xf32, #tpu.memory_space<vmem>>
            %dma_start3A_309 = arith.constant 0 : i32
            %dma_start3A_310 = arith.constant 0 : i32
            %dma_start3A_311 = tpu.memref_slice %run_scoped3A[%rem3A_230, %dma_start3A_309, %dma_start3A_310] : memref<2x1x1000xi32, #tpu.memory_space<vmem>> -> memref<1x1x1000xi32, #tpu.memory_space<vmem>>
            %dma_start3A_312 = tpu.memref_squeeze %dma_start3A_311 : memref<1x1x1000xi32, #tpu.memory_space<vmem>> -> memref<1x1000xi32, #tpu.memory_space<vmem>>
            %dma_start3A_313 = arith.constant 0 : i32
            %dma_start3A_314 = tpu.memref_slice %dma_start3A_312[%run_scoped3A_233, %dma_start3A_313] : memref<1x1000xi32, #tpu.memory_space<vmem>> -> memref<1x1000xi32, #tpu.memory_space<vmem>>
            %dma_start3A_315 = tpu.memref_squeeze %dma_start3A_314 : memref<1x1000xi32, #tpu.memory_space<vmem>> -> memref<1000xi32, #tpu.memory_space<vmem>>
            %dma_start3A_316 = arith.constant 0 : i32
            %dma_start3A_317 = arith.constant 0 : i32
            %dma_start3A_318 = tpu.memref_slice %arg2[%dma_start3A_316, %dma_start3A_317] : memref<1000000x32xf32, #tpu.memory_space<hbm>> -> memref<1000000x32xf32, #tpu.memory_space<hbm>>
            tpu.enqueue_indirect_dma source(%dma_start3A_318 : memref<1000000x32xf32, #tpu.memory_space<hbm>>) target(%dma_start3A_308 : memref<1000x32xf32, #tpu.memory_space<vmem>>) offsets(%dma_start3A_315 : memref<1000xi32, #tpu.memory_space<vmem>>) semaphore(%run_scoped3A_304 : memref<!tpu.dma_semaphore, #tpu.memory_space<semaphore_mem>>)
            %dma_wait3A = arith.constant 0 : i32
            %dma_wait3A_319 = arith.constant 0 : i32
            %dma_wait3A_320 = tpu.memref_slice %run_scoped3A_18[%rem3A_232, %dma_wait3A, %dma_wait3A_319] : memref<2x1000x32xf32, #tpu.memory_space<vmem>> -> memref<1x1000x32xf32, #tpu.memory_space<vmem>>
            %dma_wait3A_321 = tpu.memref_squeeze %dma_wait3A_320 : memref<1x1000x32xf32, #tpu.memory_space<vmem>> -> memref<1000x32xf32, #tpu.memory_space<vmem>>
            %dma_wait3A_322 = arith.constant 0 : i32
            %dma_wait3A_323 = arith.constant 0 : i32
            %dma_wait3A_324 = tpu.memref_slice %run_scoped3A[%rem3A_230, %dma_wait3A_322, %dma_wait3A_323] : memref<2x1x1000xi32, #tpu.memory_space<vmem>> -> memref<1x1x1000xi32, #tpu.memory_space<vmem>>
            %dma_wait3A_325 = tpu.memref_squeeze %dma_wait3A_324 : memref<1x1x1000xi32, #tpu.memory_space<vmem>> -> memref<1x1000xi32, #tpu.memory_space<vmem>>
            %dma_wait3A_326 = arith.constant 0 : i32
            %dma_wait3A_327 = tpu.memref_slice %dma_wait3A_325[%run_scoped3A_233, %dma_wait3A_326] : memref<1x1000xi32, #tpu.memory_space<vmem>> -> memref<1x1000xi32, #tpu.memory_space<vmem>>
            %dma_wait3A_328 = tpu.memref_squeeze %dma_wait3A_327 : memref<1x1000xi32, #tpu.memory_space<vmem>> -> memref<1000xi32, #tpu.memory_space<vmem>>
            %dma_wait3A_329 = arith.constant 0 : i32
            %dma_wait3A_330 = arith.constant 0 : i32
            %dma_wait3A_331 = tpu.memref_slice %arg2[%dma_wait3A_329, %dma_wait3A_330] : memref<1000000x32xf32, #tpu.memory_space<hbm>> -> memref<1000000x32xf32, #tpu.memory_space<hbm>>
            tpu.wait_indirect_dma semaphore(%run_scoped3A_304 : memref<!tpu.dma_semaphore, #tpu.memory_space<semaphore_mem>>) src(%dma_wait3A_331 : memref<1000000x32xf32, #tpu.memory_space<hbm>>) dst(%dma_wait3A_321 : memref<1000x32xf32, #tpu.memory_space<vmem>>)
            tpu.yield
          }) : () -> ()
          "tpu.trace_stop"() : () -> ()
          %ne3A_234 = arith.cmpi ne, %add3A_155, %add3A_173 : i32
          %or3A_235 = arith.constant false
          %or3A_236 = arith.ori %or3A_235, %ne3A_234 : i1
          %or3A_237 = arith.constant false
          %or3A_238 = arith.ori %or3A_236, %or3A_237 : i1
          %or3A_239 = arith.ori %or3A_238, %eq3A_154 : i1
          %convert_element_type3A_240 = arith.extui %or3A_239 : i1 to i32
          %cond3A_241 = arith.constant 0 : i32
          %cond3A_242 = arith.cmpi ne, %convert_element_type3A_240, %cond3A_241 : i32
          scf.if %cond3A_242 {
          } else {
          }
          %and3A_243 = arith.constant false
          %and3A_244 = arith.andi %or3A_239, %and3A_243 : i1
          %ne3A_245 = arith.cmpi ne, %add3A_155, %add3A_173 : i32
          %or3A_246 = arith.constant false
          %or3A_247 = arith.ori %or3A_246, %ne3A_245 : i1
          %or3A_248 = arith.constant false
          %or3A_249 = arith.ori %or3A_247, %or3A_248 : i1
          %or3A_250 = arith.ori %or3A_249, %eq3A_154 : i1
          %convert_element_type3A_251 = arith.extui %or3A_250 : i1 to i32
          %cond3A_252 = arith.constant 0 : i32
          %cond3A_253 = arith.cmpi ne, %convert_element_type3A_251, %cond3A_252 : i32
          scf.if %cond3A_253 {
            "tpu.trace_start"() <{level = 10 : i32, message = "ep_copy_out"}> : () -> ()
            %rem3A_304 = arith.constant 2 : i32
            %rem3A_305 = arith.remui %while3A_145, %rem3A_304 : i32
            %mul3A_306 = arith.constant 1000 : i32
            %mul3A_307 = arith.muli %mul3A_306, %add3A_155 : i32
            %dma_start3A_308 = arith.constant 0 : i32
            %dma_start3A_309 = arith.constant 0 : i32
            %dma_start3A_310 = tpu.memref_slice %run_scoped3A_18[%rem3A_305, %dma_start3A_308, %dma_start3A_309] : memref<2x1000x32xf32, #tpu.memory_space<vmem>> -> memref<1x1000x32xf32, #tpu.memory_space<vmem>>
            %dma_start3A_311 = tpu.memref_squeeze %dma_start3A_310 : memref<1x1000x32xf32, #tpu.memory_space<vmem>> -> memref<1000x32xf32, #tpu.memory_space<vmem>>
            %dma_start3A_312 = arith.constant 0 : i32
            %dma_start3A_313 = tpu.memref_slice %arg4[%mul3A_307, %dma_start3A_312] : memref<100000x128xf32, #tpu.memory_space<hbm>> -> memref<1000x32xf32, #tpu.memory_space<hbm>>
            %dma_start3A_314 = tpu.memref_slice %run_scoped3A_19[%rem3A_305] : memref<2x!tpu.dma_semaphore, #tpu.memory_space<semaphore_mem>> -> memref<1x!tpu.dma_semaphore, #tpu.memory_space<semaphore_mem>>
            %dma_start3A_315 = tpu.memref_squeeze %dma_start3A_314 : memref<1x!tpu.dma_semaphore, #tpu.memory_space<semaphore_mem>> -> memref<!tpu.dma_semaphore, #tpu.memory_space<semaphore_mem>>
            %dma_start3A_316 = arith.constant 0 : i32
            %dma_start3A_317 = tpu.memref_slice %arg4[%mul3A_307, %dma_start3A_316] : memref<100000x128xf32, #tpu.memory_space<hbm>> -> memref<1000x32xf32, #tpu.memory_space<hbm>>
            %dma_start3A_318 = arith.constant 0 : i32
            %dma_start3A_319 = arith.constant 0 : i32
            %dma_start3A_320 = tpu.memref_slice %run_scoped3A_18[%rem3A_305, %dma_start3A_318, %dma_start3A_319] : memref<2x1000x32xf32, #tpu.memory_space<vmem>> -> memref<1x1000x32xf32, #tpu.memory_space<vmem>>
            %dma_start3A_321 = tpu.memref_squeeze %dma_start3A_320 : memref<1x1000x32xf32, #tpu.memory_space<vmem>> -> memref<1000x32xf32, #tpu.memory_space<vmem>>
            tpu.enqueue_dma source(%dma_start3A_321 : memref<1000x32xf32, #tpu.memory_space<vmem>>) target(%dma_start3A_317 : memref<1000x32xf32, #tpu.memory_space<hbm>>) target_semaphore(%dma_start3A_315 : memref<!tpu.dma_semaphore, #tpu.memory_space<semaphore_mem>>)
            "tpu.trace_stop"() : () -> ()
          } else {
          }
          %and3A_254 = arith.constant true
          %and3A_255 = arith.andi %or3A_250, %and3A_254 : i1
          %add3A_256 = arith.constant 1 : i32
          %add3A_257 = arith.addi %while3A_145, %add3A_256 : i32
          %select_n3A_258 = arith.select %and3A_255, %add3A_257, %while3A_145 : i32
          %ne3A_259 = arith.cmpi ne, %add3A_155, %add3A_165 : i32
          %or3A_260 = arith.constant false
          %or3A_261 = arith.ori %or3A_260, %ne3A_259 : i1
          %or3A_262 = arith.constant false
          %or3A_263 = arith.ori %or3A_261, %or3A_262 : i1
          %not3A_264 = arith.constant true
          %not3A_265 = arith.xori %eq3A_151, %not3A_264 : i1
          %and3A_266 = arith.andi %or3A_263, %not3A_265 : i1
          %convert_element_type3A_267 = arith.extui %and3A_266 : i1 to i32
          %cond3A_268 = arith.constant 0 : i32
          %cond3A_269 = arith.cmpi ne, %convert_element_type3A_267, %cond3A_268 : i32
          scf.if %cond3A_269 {
          } else {
          }
          %and3A_270 = arith.constant false
          %and3A_271 = arith.andi %and3A_266, %and3A_270 : i1
          %ne3A_272 = arith.cmpi ne, %add3A_155, %add3A_165 : i32
          %or3A_273 = arith.constant false
          %or3A_274 = arith.ori %or3A_273, %ne3A_272 : i1
          %or3A_275 = arith.constant false
          %or3A_276 = arith.ori %or3A_274, %or3A_275 : i1
          %not3A_277 = arith.constant true
          %not3A_278 = arith.xori %eq3A_151, %not3A_277 : i1
          %and3A_279 = arith.andi %or3A_276, %not3A_278 : i1
          %convert_element_type3A_280 = arith.extui %and3A_279 : i1 to i32
          %cond3A_281 = arith.constant 0 : i32
          %cond3A_282 = arith.cmpi ne, %convert_element_type3A_280, %cond3A_281 : i32
          scf.if %cond3A_282 {
            "tpu.trace_start"() <{level = 10 : i32, message = "ep_wait_out"}> : () -> ()
            %rem3A_304 = arith.constant 2 : i32
            %rem3A_305 = arith.remui %while3A_146, %rem3A_304 : i32
            %mul3A_306 = arith.constant 1000 : i32
            %mul3A_307 = arith.muli %mul3A_306, %add3A_165 : i32
            %dma_wait3A = arith.constant 0 : i32
            %dma_wait3A_308 = arith.constant 0 : i32
            %dma_wait3A_309 = tpu.memref_slice %run_scoped3A_18[%rem3A_305, %dma_wait3A, %dma_wait3A_308] : memref<2x1000x32xf32, #tpu.memory_space<vmem>> -> memref<1x1000x32xf32, #tpu.memory_space<vmem>>
            %dma_wait3A_310 = tpu.memref_squeeze %dma_wait3A_309 : memref<1x1000x32xf32, #tpu.memory_space<vmem>> -> memref<1000x32xf32, #tpu.memory_space<vmem>>
            %dma_wait3A_311 = arith.constant 0 : i32
            %dma_wait3A_312 = tpu.memref_slice %arg4[%mul3A_307, %dma_wait3A_311] : memref<100000x128xf32, #tpu.memory_space<hbm>> -> memref<1000x32xf32, #tpu.memory_space<hbm>>
            %dma_wait3A_313 = tpu.memref_slice %run_scoped3A_19[%rem3A_305] : memref<2x!tpu.dma_semaphore, #tpu.memory_space<semaphore_mem>> -> memref<1x!tpu.dma_semaphore, #tpu.memory_space<semaphore_mem>>
            %dma_wait3A_314 = tpu.memref_squeeze %dma_wait3A_313 : memref<1x!tpu.dma_semaphore, #tpu.memory_space<semaphore_mem>> -> memref<!tpu.dma_semaphore, #tpu.memory_space<semaphore_mem>>
            %dma_wait3A_315 = arith.constant 0 : i32
            %dma_wait3A_316 = tpu.memref_slice %arg4[%mul3A_307, %dma_wait3A_315] : memref<100000x128xf32, #tpu.memory_space<hbm>> -> memref<1000x32xf32, #tpu.memory_space<hbm>>
            %dma_wait3A_317 = arith.constant 0 : i32
            %dma_wait3A_318 = arith.constant 0 : i32
            %dma_wait3A_319 = tpu.memref_slice %run_scoped3A_18[%rem3A_305, %dma_wait3A_317, %dma_wait3A_318] : memref<2x1000x32xf32, #tpu.memory_space<vmem>> -> memref<1x1000x32xf32, #tpu.memory_space<vmem>>
            %dma_wait3A_320 = tpu.memref_squeeze %dma_wait3A_319 : memref<1x1000x32xf32, #tpu.memory_space<vmem>> -> memref<1000x32xf32, #tpu.memory_space<vmem>>
            tpu.wait_dma2 semaphore(%dma_wait3A_314 : memref<!tpu.dma_semaphore, #tpu.memory_space<semaphore_mem>>) src(%dma_wait3A_320 : memref<1000x32xf32, #tpu.memory_space<vmem>>) dst(%dma_wait3A_316 : memref<1000x32xf32, #tpu.memory_space<hbm>>)
            "tpu.trace_stop"() : () -> ()
          } else {
          }
          %and3A_283 = arith.constant true
          %and3A_284 = arith.andi %and3A_279, %and3A_283 : i1
          %add3A_285 = arith.constant 1 : i32
          %add3A_286 = arith.addi %while3A_146, %add3A_285 : i32
          %select_n3A_287 = arith.select %and3A_284, %add3A_286, %while3A_146 : i32
          %ne3A_288 = arith.cmpi ne, %add3A_155, %add3A_173 : i32
          %or3A_289 = arith.constant false
          %or3A_290 = arith.ori %or3A_289, %ne3A_288 : i1
          %or3A_291 = arith.constant false
          %or3A_292 = arith.ori %or3A_290, %or3A_291 : i1
          %or3A_293 = arith.ori %or3A_292, %eq3A_154 : i1
          %add3A_294 = arith.constant 1 : i32
          %add3A_295 = arith.addi %while3A_144, %add3A_294 : i32
          %select_n3A_296 = arith.select %or3A_293, %add3A_295, %while3A_144 : i32
          %add3A_297 = arith.constant 1 : i32
          %add3A_298 = arith.addi %while3A_147, %add3A_297 : i32
          %select_n3A_299 = arith.constant true
          %select_n3A_300 = arith.select %select_n3A_299, %add3A_298, %while3A_147 : i32
          %eq3A_301 = arith.cmpi eq, %select_n3A_300, %select_n3A : i32
          %select_n3A_302 = arith.constant 0 : i32
          %select_n3A_303 = arith.select %eq3A_301, %select_n3A_302, %select_n3A_300 : i32
          scf.yield %select_n3A_197, %select_n3A_296, %select_n3A_258, %select_n3A_287, %select_n3A_303 : i32, i32, i32, i32, i32
        }
        %sub3A_91 = arith.constant 1 : i32
        %sub3A_92 = arith.subi %while3A_90#4, %sub3A_91 : i32
        %select_n3A_93 = arith.constant true
        %select_n3A_94 = arith.select %select_n3A_93, %sub3A_92, %while3A_90#4 : i32
        %eq3A_95 = arith.constant -1 : i32
        %eq3A_96 = arith.cmpi eq, %select_n3A_94, %eq3A_95 : i32
        %sub3A_97 = arith.constant 1 : i32
        %sub3A_98 = arith.subi %select_n3A, %sub3A_97 : i32
        %select_n3A_99 = arith.select %eq3A_96, %sub3A_98, %select_n3A_94 : i32
        %sub3A_100 = arith.constant 1 : i32
        %sub3A_101 = arith.subi %mul3A_16, %sub3A_100 : i32
        %mul3A_102 = arith.constant 1 : i32
        %mul3A_103 = arith.muli %mul3A_102, %select_n3A : i32
        %eq3A_104 = arith.constant 0 : i32
        %eq3A_105 = arith.cmpi eq, %sub3A_101, %eq3A_104 : i32
        %sub3A_106 = arith.constant 1 : i32
        %sub3A_107 = arith.subi %mul3A_103, %sub3A_106 : i32
        %eq3A_108 = arith.cmpi eq, %sub3A_101, %sub3A_107 : i32
        %add3A_109 = arith.addi %select_n3A_99, %select_n3A_14 : i32
        %sub3A_110 = arith.constant 1 : i32
        %sub3A_111 = arith.subi %select_n3A_99, %sub3A_110 : i32
        %select_n3A_112 = arith.constant true
        %select_n3A_113 = arith.select %select_n3A_112, %sub3A_111, %select_n3A_99 : i32
        %eq3A_114 = arith.constant -1 : i32
        %eq3A_115 = arith.cmpi eq, %select_n3A_113, %eq3A_114 : i32
        %sub3A_116 = arith.constant 1 : i32
        %sub3A_117 = arith.subi %select_n3A, %sub3A_116 : i32
        %select_n3A_118 = arith.select %eq3A_115, %sub3A_117, %select_n3A_113 : i32
        %add3A_119 = arith.addi %select_n3A_118, %select_n3A_14 : i32
        %add3A_120 = arith.constant 1 : i32
        %add3A_121 = arith.addi %select_n3A_99, %add3A_120 : i32
        %select_n3A_122 = arith.constant true
        %select_n3A_123 = arith.select %select_n3A_122, %add3A_121, %select_n3A_99 : i32
        %eq3A_124 = arith.cmpi eq, %select_n3A_123, %select_n3A : i32
        %select_n3A_125 = arith.constant 0 : i32
        %select_n3A_126 = arith.select %eq3A_124, %select_n3A_125, %select_n3A_123 : i32
        %add3A_127 = arith.addi %select_n3A_126, %select_n3A_14 : i32
        %add3A_128 = arith.constant 1 : i32
        %add3A_129 = arith.addi %select_n3A_126, %add3A_128 : i32
        %select_n3A_130 = arith.constant true
        %select_n3A_131 = arith.select %select_n3A_130, %add3A_129, %select_n3A_126 : i32
        %eq3A_132 = arith.cmpi eq, %select_n3A_131, %select_n3A : i32
        %select_n3A_133 = arith.constant 0 : i32
        %select_n3A_134 = arith.select %eq3A_132, %select_n3A_133, %select_n3A_131 : i32
        %add3A_135 = arith.addi %select_n3A_134, %select_n3A_14 : i32
        %convert_element_type3A_136 = arith.extui %eq3A_108 : i1 to i32
        %cond3A_137 = arith.constant 0 : i32
        %cond3A_138 = arith.cmpi ne, %convert_element_type3A_136, %cond3A_137 : i32
        scf.if %cond3A_138 {
        } else {
        }
        %convert_element_type3A_139 = arith.extui %eq3A_108 : i1 to i32
        %cond3A_140 = arith.constant 0 : i32
        %cond3A_141 = arith.cmpi ne, %convert_element_type3A_139, %cond3A_140 : i32
        scf.if %cond3A_141 {
          "tpu.trace_start"() <{level = 10 : i32, message = "ep_finalize"}> : () -> ()
          %rem3A_142 = arith.constant 2 : i32
          %rem3A_143 = arith.remui %while3A_90#3, %rem3A_142 : i32
          %mul3A_144 = arith.constant 1000 : i32
          %mul3A_145 = arith.muli %mul3A_144, %add3A_109 : i32
          %dma_wait3A = arith.constant 0 : i32
          %dma_wait3A_146 = arith.constant 0 : i32
          %dma_wait3A_147 = tpu.memref_slice %run_scoped3A_18[%rem3A_143, %dma_wait3A, %dma_wait3A_146] : memref<2x1000x32xf32, #tpu.memory_space<vmem>> -> memref<1x1000x32xf32, #tpu.memory_space<vmem>>
          %dma_wait3A_148 = tpu.memref_squeeze %dma_wait3A_147 : memref<1x1000x32xf32, #tpu.memory_space<vmem>> -> memref<1000x32xf32, #tpu.memory_space<vmem>>
          %dma_wait3A_149 = arith.constant 0 : i32
          %dma_wait3A_150 = tpu.memref_slice %arg4[%mul3A_145, %dma_wait3A_149] : memref<100000x128xf32, #tpu.memory_space<hbm>> -> memref<1000x32xf32, #tpu.memory_space<hbm>>
          %dma_wait3A_151 = tpu.memref_slice %run_scoped3A_19[%rem3A_143] : memref<2x!tpu.dma_semaphore, #tpu.memory_space<semaphore_mem>> -> memref<1x!tpu.dma_semaphore, #tpu.memory_space<semaphore_mem>>
          %dma_wait3A_152 = tpu.memref_squeeze %dma_wait3A_151 : memref<1x!tpu.dma_semaphore, #tpu.memory_space<semaphore_mem>> -> memref<!tpu.dma_semaphore, #tpu.memory_space<semaphore_mem>>
          %dma_wait3A_153 = arith.constant 0 : i32
          %dma_wait3A_154 = tpu.memref_slice %arg4[%mul3A_145, %dma_wait3A_153] : memref<100000x128xf32, #tpu.memory_space<hbm>> -> memref<1000x32xf32, #tpu.memory_space<hbm>>
          %dma_wait3A_155 = arith.constant 0 : i32
          %dma_wait3A_156 = arith.constant 0 : i32
          %dma_wait3A_157 = tpu.memref_slice %run_scoped3A_18[%rem3A_143, %dma_wait3A_155, %dma_wait3A_156] : memref<2x1000x32xf32, #tpu.memory_space<vmem>> -> memref<1x1000x32xf32, #tpu.memory_space<vmem>>
          %dma_wait3A_158 = tpu.memref_squeeze %dma_wait3A_157 : memref<1x1000x32xf32, #tpu.memory_space<vmem>> -> memref<1000x32xf32, #tpu.memory_space<vmem>>
          tpu.wait_dma2 semaphore(%dma_wait3A_152 : memref<!tpu.dma_semaphore, #tpu.memory_space<semaphore_mem>>) src(%dma_wait3A_158 : memref<1000x32xf32, #tpu.memory_space<vmem>>) dst(%dma_wait3A_154 : memref<1000x32xf32, #tpu.memory_space<hbm>>)
          "tpu.trace_stop"() : () -> ()
        } else {
        }
      } else {
      }
      tpu.yield
    }) : () -> ()
    return
  }
}

#map = affine_map<(d0, d1) -> (0, 0)>
module attributes {stable_mosaic.version = 14 : i64} {
  func.func @edge_kernel(%arg0: i32, %arg1: i32, %arg2: memref<32000x32xf32, #tpu.memory_space<hbm>>, %arg3: memref<1600x1000xi32, #tpu.memory_space<hbm>>, %arg4: memref<1700000x128xf32, #tpu.memory_space<hbm>>) attributes {dimension_semantics = [#tpu.dimension_semantics<core_parallel>, #tpu.dimension_semantics<subcore_parallel>], iteration_bounds = array<i64: 2, 16>, scalar_prefetch = 0 : i64, scratch_operands = 0 : i64, tpu.core_type = #tpu.core_type<sc_vector_subcore>, window_params = [{transform_indices = #map}, {transform_indices = #map}, {transform_indices = #map}]} {
    %mul3A = arith.constant 1 : i32
    %mul3A_0 = arith.muli %arg1, %mul3A : i32
    %add3A = arith.constant 0 : i32
    %add3A_1 = arith.addi %add3A, %mul3A_0 : i32
    %mul3A_2 = arith.constant 16 : i32
    %mul3A_3 = arith.muli %arg0, %mul3A_2 : i32
    %add3A_4 = arith.addi %add3A_1, %mul3A_3 : i32
    %mul3A_5 = arith.constant 50 : i32
    %mul3A_6 = arith.muli %add3A_4, %mul3A_5 : i32
    "tpu.region"() ({
      %run_scoped3A = memref.alloca() : memref<2x1x1000xi32, #tpu.memory_space<vmem>>
      %run_scoped3A_7 = tpu.sem_alloc : memref<2x!tpu.dma_semaphore, #tpu.memory_space<semaphore_mem>>
      %run_scoped3A_8 = memref.alloca() : memref<2x1000x32xf32, #tpu.memory_space<vmem>>
      %run_scoped3A_9 = tpu.sem_alloc : memref<2x!tpu.dma_semaphore, #tpu.memory_space<semaphore_mem>>
      %add3A_10 = arith.constant 0 : i32
      %add3A_11 = arith.addi %add3A_10, %mul3A_6 : i32
      %select_n3A = arith.constant true
      %select_n3A_12 = arith.constant 0 : i32
      %select_n3A_13 = arith.constant -1 : i32
      %select_n3A_14 = arith.select %select_n3A, %select_n3A_13, %select_n3A_12 : i32
      %eq3A = arith.constant -1 : i32
      %eq3A_15 = arith.cmpi eq, %select_n3A_14, %eq3A : i32
      %select_n3A_16 = arith.constant 49 : i32
      %select_n3A_17 = arith.select %eq3A_15, %select_n3A_16, %select_n3A_14 : i32
      %add3A_18 = arith.addi %select_n3A_17, %mul3A_6 : i32
      %select_n3A_19 = arith.constant true
      %select_n3A_20 = arith.constant 0 : i32
      %select_n3A_21 = arith.constant 1 : i32
      %select_n3A_22 = arith.select %select_n3A_19, %select_n3A_21, %select_n3A_20 : i32
      %eq3A_23 = arith.constant 50 : i32
      %eq3A_24 = arith.cmpi eq, %select_n3A_22, %eq3A_23 : i32
      %select_n3A_25 = arith.constant 0 : i32
      %select_n3A_26 = arith.select %eq3A_24, %select_n3A_25, %select_n3A_22 : i32
      %add3A_27 = arith.addi %select_n3A_26, %mul3A_6 : i32
      %add3A_28 = arith.constant 1 : i32
      %add3A_29 = arith.addi %select_n3A_26, %add3A_28 : i32
      %select_n3A_30 = arith.constant true
      %select_n3A_31 = arith.select %select_n3A_30, %add3A_29, %select_n3A_26 : i32
      %eq3A_32 = arith.constant 50 : i32
      %eq3A_33 = arith.cmpi eq, %select_n3A_31, %eq3A_32 : i32
      %select_n3A_34 = arith.constant 0 : i32
      %select_n3A_35 = arith.select %eq3A_33, %select_n3A_34, %select_n3A_31 : i32
      %add3A_36 = arith.addi %select_n3A_35, %mul3A_6 : i32
      "tpu.trace_start"() <{level = 10 : i32, message = "ep_initialize_0"}> : () -> ()
      %rem3A = arith.constant 0 : i32
      %rem3A_37 = arith.constant 2 : i32
      %rem3A_38 = arith.remui %rem3A, %rem3A_37 : i32
      %mul3A_39 = arith.constant 1 : i32
      %mul3A_40 = arith.muli %mul3A_39, %add3A_11 : i32
      %dma_start3A = arith.constant 0 : i32
      %dma_start3A_41 = arith.constant 0 : i32
      %dma_start3A_42 = tpu.memref_slice %run_scoped3A[%rem3A_38, %dma_start3A, %dma_start3A_41] : memref<2x1x1000xi32, #tpu.memory_space<vmem>> -> memref<1x1x1000xi32, #tpu.memory_space<vmem>>
      %dma_start3A_43 = tpu.memref_squeeze %dma_start3A_42 : memref<1x1x1000xi32, #tpu.memory_space<vmem>> -> memref<1x1000xi32, #tpu.memory_space<vmem>>
      %dma_start3A_44 = arith.constant 0 : i32
      %dma_start3A_45 = tpu.memref_slice %arg3[%mul3A_40, %dma_start3A_44] : memref<1600x1000xi32, #tpu.memory_space<hbm>> -> memref<1x1000xi32, #tpu.memory_space<hbm>>
      %dma_start3A_46 = tpu.memref_slice %run_scoped3A_7[%rem3A_38] : memref<2x!tpu.dma_semaphore, #tpu.memory_space<semaphore_mem>> -> memref<1x!tpu.dma_semaphore, #tpu.memory_space<semaphore_mem>>
      %dma_start3A_47 = tpu.memref_squeeze %dma_start3A_46 : memref<1x!tpu.dma_semaphore, #tpu.memory_space<semaphore_mem>> -> memref<!tpu.dma_semaphore, #tpu.memory_space<semaphore_mem>>
      %dma_start3A_48 = arith.constant 0 : i32
      %dma_start3A_49 = arith.constant 0 : i32
      %dma_start3A_50 = tpu.memref_slice %run_scoped3A[%rem3A_38, %dma_start3A_48, %dma_start3A_49] : memref<2x1x1000xi32, #tpu.memory_space<vmem>> -> memref<1x1x1000xi32, #tpu.memory_space<vmem>>
      %dma_start3A_51 = tpu.memref_squeeze %dma_start3A_50 : memref<1x1x1000xi32, #tpu.memory_space<vmem>> -> memref<1x1000xi32, #tpu.memory_space<vmem>>
      %dma_start3A_52 = arith.constant 0 : i32
      %dma_start3A_53 = tpu.memref_slice %arg3[%mul3A_40, %dma_start3A_52] : memref<1600x1000xi32, #tpu.memory_space<hbm>> -> memref<1x1000xi32, #tpu.memory_space<hbm>>
      tpu.enqueue_dma source(%dma_start3A_53 : memref<1x1000xi32, #tpu.memory_space<hbm>>) target(%dma_start3A_51 : memref<1x1000xi32, #tpu.memory_space<vmem>>) target_semaphore(%dma_start3A_47 : memref<!tpu.dma_semaphore, #tpu.memory_space<semaphore_mem>>)
      %add3A_54 = arith.constant 0 : i32
      %add3A_55 = arith.constant 1 : i32
      %add3A_56 = arith.addi %add3A_54, %add3A_55 : i32
      %select_n3A_57 = arith.constant true
      %select_n3A_58 = arith.constant 0 : i32
      %select_n3A_59 = arith.select %select_n3A_57, %add3A_56, %select_n3A_58 : i32
      "tpu.trace_stop"() : () -> ()
      %scan3A = arith.constant 0 : i32
      %scan3A_60 = arith.constant 0 : i32
      %scan3A_61 = arith.constant 0 : i32
      %scan3A_62 = arith.constant 0 : i32
      %scan3A_63 = arith.constant 0 : i32
      %scan3A_64 = arith.constant 50 : i32
      %scan3A_65 = arith.addi %scan3A_63, %scan3A_64 : i32
      %scan3A_66 = arith.constant 1 : i32
      %scan3A_67:5 = scf.for %scan3A_123 = %scan3A_63 to %scan3A_65 step %scan3A_66 iter_args(%scan3A_124 = %select_n3A_59, %scan3A_125 = %scan3A, %scan3A_126 = %scan3A_60, %scan3A_127 = %scan3A_61, %scan3A_128 = %scan3A_62) -> (i32, i32, i32, i32, i32)  : i32 {
        %eq3A_129 = arith.constant 0 : i32
        %eq3A_130 = arith.cmpi eq, %scan3A_123, %eq3A_129 : i32
        %eq3A_131 = arith.constant 49 : i32
        %eq3A_132 = arith.cmpi eq, %scan3A_123, %eq3A_131 : i32
        %add3A_133 = arith.addi %scan3A_128, %mul3A_6 : i32
        %sub3A_134 = arith.constant 1 : i32
        %sub3A_135 = arith.subi %scan3A_128, %sub3A_134 : i32
        %select_n3A_136 = arith.constant true
        %select_n3A_137 = arith.select %select_n3A_136, %sub3A_135, %scan3A_128 : i32
        %eq3A_138 = arith.constant -1 : i32
        %eq3A_139 = arith.cmpi eq, %select_n3A_137, %eq3A_138 : i32
        %select_n3A_140 = arith.constant 49 : i32
        %select_n3A_141 = arith.select %eq3A_139, %select_n3A_140, %select_n3A_137 : i32
        %add3A_142 = arith.addi %select_n3A_141, %mul3A_6 : i32
        %add3A_143 = arith.constant 1 : i32
        %add3A_144 = arith.addi %scan3A_128, %add3A_143 : i32
        %select_n3A_145 = arith.constant true
        %select_n3A_146 = arith.select %select_n3A_145, %add3A_144, %scan3A_128 : i32
        %eq3A_147 = arith.constant 50 : i32
        %eq3A_148 = arith.cmpi eq, %select_n3A_146, %eq3A_147 : i32
        %select_n3A_149 = arith.constant 0 : i32
        %select_n3A_150 = arith.select %eq3A_148, %select_n3A_149, %select_n3A_146 : i32
        %add3A_151 = arith.addi %select_n3A_150, %mul3A_6 : i32
        %add3A_152 = arith.constant 1 : i32
        %add3A_153 = arith.addi %select_n3A_150, %add3A_152 : i32
        %select_n3A_154 = arith.constant true
        %select_n3A_155 = arith.select %select_n3A_154, %add3A_153, %select_n3A_150 : i32
        %eq3A_156 = arith.constant 50 : i32
        %eq3A_157 = arith.cmpi eq, %select_n3A_155, %eq3A_156 : i32
        %select_n3A_158 = arith.constant 0 : i32
        %select_n3A_159 = arith.select %eq3A_157, %select_n3A_158, %select_n3A_155 : i32
        %add3A_160 = arith.addi %select_n3A_159, %mul3A_6 : i32
        %ne3A = arith.cmpi ne, %add3A_133, %add3A_151 : i32
        %or3A = arith.constant false
        %or3A_161 = arith.ori %or3A, %ne3A : i1
        %or3A_162 = arith.constant false
        %or3A_163 = arith.ori %or3A_161, %or3A_162 : i1
        %ge3A = arith.constant 49 : i32
        %ge3A_164 = arith.cmpi sge, %scan3A_123, %ge3A : i32
        %not3A = arith.constant true
        %not3A_165 = arith.xori %ge3A_164, %not3A : i1
        %and3A = arith.andi %or3A_163, %not3A_165 : i1
        %convert_element_type3A = arith.extui %and3A : i1 to i32
        %cond3A = arith.constant 0 : i32
        %cond3A_166 = arith.cmpi ne, %convert_element_type3A, %cond3A : i32
        scf.if %cond3A_166 {
          "tpu.trace_start"() <{level = 10 : i32, message = "ep_copy_in"}> : () -> ()
          %rem3A_292 = arith.constant 2 : i32
          %rem3A_293 = arith.remui %scan3A_124, %rem3A_292 : i32
          %mul3A_294 = arith.constant 1 : i32
          %mul3A_295 = arith.muli %mul3A_294, %add3A_151 : i32
          %dma_start3A_296 = arith.constant 0 : i32
          %dma_start3A_297 = arith.constant 0 : i32
          %dma_start3A_298 = tpu.memref_slice %run_scoped3A[%rem3A_293, %dma_start3A_296, %dma_start3A_297] : memref<2x1x1000xi32, #tpu.memory_space<vmem>> -> memref<1x1x1000xi32, #tpu.memory_space<vmem>>
          %dma_start3A_299 = tpu.memref_squeeze %dma_start3A_298 : memref<1x1x1000xi32, #tpu.memory_space<vmem>> -> memref<1x1000xi32, #tpu.memory_space<vmem>>
          %dma_start3A_300 = arith.constant 0 : i32
          %dma_start3A_301 = tpu.memref_slice %arg3[%mul3A_295, %dma_start3A_300] : memref<1600x1000xi32, #tpu.memory_space<hbm>> -> memref<1x1000xi32, #tpu.memory_space<hbm>>
          %dma_start3A_302 = tpu.memref_slice %run_scoped3A_7[%rem3A_293] : memref<2x!tpu.dma_semaphore, #tpu.memory_space<semaphore_mem>> -> memref<1x!tpu.dma_semaphore, #tpu.memory_space<semaphore_mem>>
          %dma_start3A_303 = tpu.memref_squeeze %dma_start3A_302 : memref<1x!tpu.dma_semaphore, #tpu.memory_space<semaphore_mem>> -> memref<!tpu.dma_semaphore, #tpu.memory_space<semaphore_mem>>
          %dma_start3A_304 = arith.constant 0 : i32
          %dma_start3A_305 = arith.constant 0 : i32
          %dma_start3A_306 = tpu.memref_slice %run_scoped3A[%rem3A_293, %dma_start3A_304, %dma_start3A_305] : memref<2x1x1000xi32, #tpu.memory_space<vmem>> -> memref<1x1x1000xi32, #tpu.memory_space<vmem>>
          %dma_start3A_307 = tpu.memref_squeeze %dma_start3A_306 : memref<1x1x1000xi32, #tpu.memory_space<vmem>> -> memref<1x1000xi32, #tpu.memory_space<vmem>>
          %dma_start3A_308 = arith.constant 0 : i32
          %dma_start3A_309 = tpu.memref_slice %arg3[%mul3A_295, %dma_start3A_308] : memref<1600x1000xi32, #tpu.memory_space<hbm>> -> memref<1x1000xi32, #tpu.memory_space<hbm>>
          tpu.enqueue_dma source(%dma_start3A_309 : memref<1x1000xi32, #tpu.memory_space<hbm>>) target(%dma_start3A_307 : memref<1x1000xi32, #tpu.memory_space<vmem>>) target_semaphore(%dma_start3A_303 : memref<!tpu.dma_semaphore, #tpu.memory_space<semaphore_mem>>)
          "tpu.trace_stop"() : () -> ()
        } else {
        }
        %and3A_167 = arith.constant true
        %and3A_168 = arith.andi %and3A, %and3A_167 : i1
        %add3A_169 = arith.constant 1 : i32
        %add3A_170 = arith.addi %scan3A_124, %add3A_169 : i32
        %select_n3A_171 = arith.select %and3A_168, %add3A_170, %scan3A_124 : i32
        %add3A_172 = arith.constant 100 : i32
        %add3A_173 = arith.addi %add3A_133, %add3A_172 : i32
        %add3A_174 = arith.constant 100 : i32
        %add3A_175 = arith.addi %add3A_151, %add3A_174 : i32
        %ne3A_176 = arith.cmpi ne, %add3A_173, %add3A_175 : i32
        %or3A_177 = arith.constant false
        %or3A_178 = arith.ori %or3A_177, %ne3A_176 : i1
        %or3A_179 = arith.constant false
        %or3A_180 = arith.ori %or3A_178, %or3A_179 : i1
        %ge3A_181 = arith.constant 49 : i32
        %ge3A_182 = arith.cmpi sge, %scan3A_123, %ge3A_181 : i32
        %not3A_183 = arith.constant true
        %not3A_184 = arith.xori %ge3A_182, %not3A_183 : i1
        %and3A_185 = arith.andi %or3A_180, %not3A_184 : i1
        %ne3A_186 = arith.cmpi ne, %add3A_133, %add3A_142 : i32
        %or3A_187 = arith.constant false
        %or3A_188 = arith.ori %or3A_187, %ne3A_186 : i1
        %or3A_189 = arith.constant false
        %or3A_190 = arith.ori %or3A_188, %or3A_189 : i1
        %or3A_191 = arith.ori %or3A_190, %eq3A_130 : i1
        %convert_element_type3A_192 = arith.extui %or3A_191 : i1 to i32
        %cond3A_193 = arith.constant 0 : i32
        %cond3A_194 = arith.cmpi ne, %convert_element_type3A_192, %cond3A_193 : i32
        scf.if %cond3A_194 {
          "tpu.trace_start"() <{level = 10 : i32, message = "ep_wait_in"}> : () -> ()
          %mul3A_292 = arith.constant 1 : i32
          %mul3A_293 = arith.muli %mul3A_292, %add3A_133 : i32
          %rem3A_294 = arith.constant 2 : i32
          %rem3A_295 = arith.remui %scan3A_125, %rem3A_294 : i32
          %dma_wait3A_296 = arith.constant 0 : i32
          %dma_wait3A_297 = arith.constant 0 : i32
          %dma_wait3A_298 = tpu.memref_slice %run_scoped3A[%rem3A_295, %dma_wait3A_296, %dma_wait3A_297] : memref<2x1x1000xi32, #tpu.memory_space<vmem>> -> memref<1x1x1000xi32, #tpu.memory_space<vmem>>
          %dma_wait3A_299 = tpu.memref_squeeze %dma_wait3A_298 : memref<1x1x1000xi32, #tpu.memory_space<vmem>> -> memref<1x1000xi32, #tpu.memory_space<vmem>>
          %dma_wait3A_300 = arith.constant 0 : i32
          %dma_wait3A_301 = tpu.memref_slice %arg3[%mul3A_293, %dma_wait3A_300] : memref<1600x1000xi32, #tpu.memory_space<hbm>> -> memref<1x1000xi32, #tpu.memory_space<hbm>>
          %dma_wait3A_302 = tpu.memref_slice %run_scoped3A_7[%rem3A_295] : memref<2x!tpu.dma_semaphore, #tpu.memory_space<semaphore_mem>> -> memref<1x!tpu.dma_semaphore, #tpu.memory_space<semaphore_mem>>
          %dma_wait3A_303 = tpu.memref_squeeze %dma_wait3A_302 : memref<1x!tpu.dma_semaphore, #tpu.memory_space<semaphore_mem>> -> memref<!tpu.dma_semaphore, #tpu.memory_space<semaphore_mem>>
          %dma_wait3A_304 = arith.constant 0 : i32
          %dma_wait3A_305 = arith.constant 0 : i32
          %dma_wait3A_306 = tpu.memref_slice %run_scoped3A[%rem3A_295, %dma_wait3A_304, %dma_wait3A_305] : memref<2x1x1000xi32, #tpu.memory_space<vmem>> -> memref<1x1x1000xi32, #tpu.memory_space<vmem>>
          %dma_wait3A_307 = tpu.memref_squeeze %dma_wait3A_306 : memref<1x1x1000xi32, #tpu.memory_space<vmem>> -> memref<1x1000xi32, #tpu.memory_space<vmem>>
          %dma_wait3A_308 = arith.constant 0 : i32
          %dma_wait3A_309 = tpu.memref_slice %arg3[%mul3A_293, %dma_wait3A_308] : memref<1600x1000xi32, #tpu.memory_space<hbm>> -> memref<1x1000xi32, #tpu.memory_space<hbm>>
          tpu.wait_dma2 semaphore(%dma_wait3A_303 : memref<!tpu.dma_semaphore, #tpu.memory_space<semaphore_mem>>) src(%dma_wait3A_309 : memref<1x1000xi32, #tpu.memory_space<hbm>>) dst(%dma_wait3A_307 : memref<1x1000xi32, #tpu.memory_space<vmem>>)
          "tpu.trace_stop"() : () -> ()
        } else {
        }
        %add3A_195 = arith.constant 100 : i32
        %add3A_196 = arith.addi %add3A_133, %add3A_195 : i32
        %add3A_197 = arith.constant 100 : i32
        %add3A_198 = arith.addi %add3A_142, %add3A_197 : i32
        %ne3A_199 = arith.cmpi ne, %add3A_196, %add3A_198 : i32
        %or3A_200 = arith.constant false
        %or3A_201 = arith.ori %or3A_200, %ne3A_199 : i1
        %or3A_202 = arith.constant false
        %or3A_203 = arith.ori %or3A_201, %or3A_202 : i1
        %or3A_204 = arith.ori %or3A_203, %eq3A_130 : i1
        %convert_element_type3A_205 = arith.extui %or3A_204 : i1 to i32
        %cond3A_206 = arith.constant 0 : i32
        %cond3A_207 = arith.cmpi ne, %convert_element_type3A_205, %cond3A_206 : i32
        scf.if %cond3A_207 {
        } else {
        }
        %rem3A_208 = arith.constant 2 : i32
        %rem3A_209 = arith.remui %scan3A_125, %rem3A_208 : i32
        %rem3A_210 = arith.constant 2 : i32
        %rem3A_211 = arith.remui %scan3A_126, %rem3A_210 : i32
        %run_scoped3A_212 = arith.constant 0 : i32
        "tpu.trace_start"() <{level = 10 : i32, message = "ep_run_kernel"}> : () -> ()
        "tpu.region"() ({
          %run_scoped3A_292 = tpu.sem_alloc : memref<!tpu.dma_semaphore, #tpu.memory_space<semaphore_mem>>
          %dma_start3A_293 = arith.constant 0 : i32
          %dma_start3A_294 = arith.constant 0 : i32
          %dma_start3A_295 = tpu.memref_slice %run_scoped3A_8[%rem3A_211, %dma_start3A_293, %dma_start3A_294] : memref<2x1000x32xf32, #tpu.memory_space<vmem>> -> memref<1x1000x32xf32, #tpu.memory_space<vmem>>
          %dma_start3A_296 = tpu.memref_squeeze %dma_start3A_295 : memref<1x1000x32xf32, #tpu.memory_space<vmem>> -> memref<1000x32xf32, #tpu.memory_space<vmem>>
          %dma_start3A_297 = arith.constant 0 : i32
          %dma_start3A_298 = arith.constant 0 : i32
          %dma_start3A_299 = tpu.memref_slice %run_scoped3A[%rem3A_209, %dma_start3A_297, %dma_start3A_298] : memref<2x1x1000xi32, #tpu.memory_space<vmem>> -> memref<1x1x1000xi32, #tpu.memory_space<vmem>>
          %dma_start3A_300 = tpu.memref_squeeze %dma_start3A_299 : memref<1x1x1000xi32, #tpu.memory_space<vmem>> -> memref<1x1000xi32, #tpu.memory_space<vmem>>
          %dma_start3A_301 = arith.constant 0 : i32
          %dma_start3A_302 = tpu.memref_slice %dma_start3A_300[%run_scoped3A_212, %dma_start3A_301] : memref<1x1000xi32, #tpu.memory_space<vmem>> -> memref<1x1000xi32, #tpu.memory_space<vmem>>
          %dma_start3A_303 = tpu.memref_squeeze %dma_start3A_302 : memref<1x1000xi32, #tpu.memory_space<vmem>> -> memref<1000xi32, #tpu.memory_space<vmem>>
          %dma_start3A_304 = arith.constant 0 : i32
          %dma_start3A_305 = arith.constant 0 : i32
          %dma_start3A_306 = tpu.memref_slice %arg2[%dma_start3A_304, %dma_start3A_305] : memref<32000x32xf32, #tpu.memory_space<hbm>> -> memref<32000x32xf32, #tpu.memory_space<hbm>>
          tpu.enqueue_indirect_dma source(%dma_start3A_306 : memref<32000x32xf32, #tpu.memory_space<hbm>>) target(%dma_start3A_296 : memref<1000x32xf32, #tpu.memory_space<vmem>>) offsets(%dma_start3A_303 : memref<1000xi32, #tpu.memory_space<vmem>>) semaphore(%run_scoped3A_292 : memref<!tpu.dma_semaphore, #tpu.memory_space<semaphore_mem>>)
          %dma_wait3A_307 = arith.constant 0 : i32
          %dma_wait3A_308 = arith.constant 0 : i32
          %dma_wait3A_309 = tpu.memref_slice %run_scoped3A_8[%rem3A_211, %dma_wait3A_307, %dma_wait3A_308] : memref<2x1000x32xf32, #tpu.memory_space<vmem>> -> memref<1x1000x32xf32, #tpu.memory_space<vmem>>
          %dma_wait3A_310 = tpu.memref_squeeze %dma_wait3A_309 : memref<1x1000x32xf32, #tpu.memory_space<vmem>> -> memref<1000x32xf32, #tpu.memory_space<vmem>>
          %dma_wait3A_311 = arith.constant 0 : i32
          %dma_wait3A_312 = arith.constant 0 : i32
          %dma_wait3A_313 = tpu.memref_slice %run_scoped3A[%rem3A_209, %dma_wait3A_311, %dma_wait3A_312] : memref<2x1x1000xi32, #tpu.memory_space<vmem>> -> memref<1x1x1000xi32, #tpu.memory_space<vmem>>
          %dma_wait3A_314 = tpu.memref_squeeze %dma_wait3A_313 : memref<1x1x1000xi32, #tpu.memory_space<vmem>> -> memref<1x1000xi32, #tpu.memory_space<vmem>>
          %dma_wait3A_315 = arith.constant 0 : i32
          %dma_wait3A_316 = tpu.memref_slice %dma_wait3A_314[%run_scoped3A_212, %dma_wait3A_315] : memref<1x1000xi32, #tpu.memory_space<vmem>> -> memref<1x1000xi32, #tpu.memory_space<vmem>>
          %dma_wait3A_317 = tpu.memref_squeeze %dma_wait3A_316 : memref<1x1000xi32, #tpu.memory_space<vmem>> -> memref<1000xi32, #tpu.memory_space<vmem>>
          %dma_wait3A_318 = arith.constant 0 : i32
          %dma_wait3A_319 = arith.constant 0 : i32
          %dma_wait3A_320 = tpu.memref_slice %arg2[%dma_wait3A_318, %dma_wait3A_319] : memref<32000x32xf32, #tpu.memory_space<hbm>> -> memref<32000x32xf32, #tpu.memory_space<hbm>>
          tpu.wait_indirect_dma semaphore(%run_scoped3A_292 : memref<!tpu.dma_semaphore, #tpu.memory_space<semaphore_mem>>) src(%dma_wait3A_320 : memref<32000x32xf32, #tpu.memory_space<hbm>>) dst(%dma_wait3A_310 : memref<1000x32xf32, #tpu.memory_space<vmem>>)
          tpu.yield
        }) : () -> ()
        "tpu.trace_stop"() : () -> ()
        %ne3A_213 = arith.cmpi ne, %add3A_133, %add3A_151 : i32
        %or3A_214 = arith.constant false
        %or3A_215 = arith.ori %or3A_214, %ne3A_213 : i1
        %or3A_216 = arith.constant false
        %or3A_217 = arith.ori %or3A_215, %or3A_216 : i1
        %or3A_218 = arith.ori %or3A_217, %eq3A_132 : i1
        %convert_element_type3A_219 = arith.extui %or3A_218 : i1 to i32
        %cond3A_220 = arith.constant 0 : i32
        %cond3A_221 = arith.cmpi ne, %convert_element_type3A_219, %cond3A_220 : i32
        scf.if %cond3A_221 {
        } else {
        }
        %and3A_222 = arith.constant false
        %and3A_223 = arith.andi %or3A_218, %and3A_222 : i1
        %add3A_224 = arith.constant 100 : i32
        %add3A_225 = arith.addi %add3A_133, %add3A_224 : i32
        %add3A_226 = arith.constant 100 : i32
        %add3A_227 = arith.addi %add3A_151, %add3A_226 : i32
        %ne3A_228 = arith.cmpi ne, %add3A_225, %add3A_227 : i32
        %or3A_229 = arith.constant false
        %or3A_230 = arith.ori %or3A_229, %ne3A_228 : i1
        %or3A_231 = arith.constant false
        %or3A_232 = arith.ori %or3A_230, %or3A_231 : i1
        %or3A_233 = arith.ori %or3A_232, %eq3A_132 : i1
        %convert_element_type3A_234 = arith.extui %or3A_233 : i1 to i32
        %cond3A_235 = arith.constant 0 : i32
        %cond3A_236 = arith.cmpi ne, %convert_element_type3A_234, %cond3A_235 : i32
        scf.if %cond3A_236 {
          "tpu.trace_start"() <{level = 10 : i32, message = "ep_copy_out"}> : () -> ()
          %rem3A_292 = arith.constant 2 : i32
          %rem3A_293 = arith.remui %scan3A_126, %rem3A_292 : i32
          %add3A_294 = arith.constant 100 : i32
          %add3A_295 = arith.addi %add3A_133, %add3A_294 : i32
          %mul3A_296 = arith.constant 1000 : i32
          %mul3A_297 = arith.muli %mul3A_296, %add3A_295 : i32
          %dma_start3A_298 = arith.constant 0 : i32
          %dma_start3A_299 = arith.constant 0 : i32
          %dma_start3A_300 = tpu.memref_slice %run_scoped3A_8[%rem3A_293, %dma_start3A_298, %dma_start3A_299] : memref<2x1000x32xf32, #tpu.memory_space<vmem>> -> memref<1x1000x32xf32, #tpu.memory_space<vmem>>
          %dma_start3A_301 = tpu.memref_squeeze %dma_start3A_300 : memref<1x1000x32xf32, #tpu.memory_space<vmem>> -> memref<1000x32xf32, #tpu.memory_space<vmem>>
          %dma_start3A_302 = arith.constant 0 : i32
          %dma_start3A_303 = tpu.memref_slice %arg4[%mul3A_297, %dma_start3A_302] : memref<1700000x128xf32, #tpu.memory_space<hbm>> -> memref<1000x32xf32, #tpu.memory_space<hbm>>
          %dma_start3A_304 = tpu.memref_slice %run_scoped3A_9[%rem3A_293] : memref<2x!tpu.dma_semaphore, #tpu.memory_space<semaphore_mem>> -> memref<1x!tpu.dma_semaphore, #tpu.memory_space<semaphore_mem>>
          %dma_start3A_305 = tpu.memref_squeeze %dma_start3A_304 : memref<1x!tpu.dma_semaphore, #tpu.memory_space<semaphore_mem>> -> memref<!tpu.dma_semaphore, #tpu.memory_space<semaphore_mem>>
          %dma_start3A_306 = arith.constant 0 : i32
          %dma_start3A_307 = tpu.memref_slice %arg4[%mul3A_297, %dma_start3A_306] : memref<1700000x128xf32, #tpu.memory_space<hbm>> -> memref<1000x32xf32, #tpu.memory_space<hbm>>
          %dma_start3A_308 = arith.constant 0 : i32
          %dma_start3A_309 = arith.constant 0 : i32
          %dma_start3A_310 = tpu.memref_slice %run_scoped3A_8[%rem3A_293, %dma_start3A_308, %dma_start3A_309] : memref<2x1000x32xf32, #tpu.memory_space<vmem>> -> memref<1x1000x32xf32, #tpu.memory_space<vmem>>
          %dma_start3A_311 = tpu.memref_squeeze %dma_start3A_310 : memref<1x1000x32xf32, #tpu.memory_space<vmem>> -> memref<1000x32xf32, #tpu.memory_space<vmem>>
          tpu.enqueue_dma source(%dma_start3A_311 : memref<1000x32xf32, #tpu.memory_space<vmem>>) target(%dma_start3A_307 : memref<1000x32xf32, #tpu.memory_space<hbm>>) target_semaphore(%dma_start3A_305 : memref<!tpu.dma_semaphore, #tpu.memory_space<semaphore_mem>>)
          "tpu.trace_stop"() : () -> ()
        } else {
        }
        %and3A_237 = arith.constant true
        %and3A_238 = arith.andi %or3A_233, %and3A_237 : i1
        %add3A_239 = arith.constant 1 : i32
        %add3A_240 = arith.addi %scan3A_126, %add3A_239 : i32
        %select_n3A_241 = arith.select %and3A_238, %add3A_240, %scan3A_126 : i32
        %ne3A_242 = arith.cmpi ne, %add3A_133, %add3A_142 : i32
        %or3A_243 = arith.constant false
        %or3A_244 = arith.ori %or3A_243, %ne3A_242 : i1
        %or3A_245 = arith.constant false
        %or3A_246 = arith.ori %or3A_244, %or3A_245 : i1
        %not3A_247 = arith.constant true
        %not3A_248 = arith.xori %eq3A_130, %not3A_247 : i1
        %and3A_249 = arith.andi %or3A_246, %not3A_248 : i1
        %convert_element_type3A_250 = arith.extui %and3A_249 : i1 to i32
        %cond3A_251 = arith.constant 0 : i32
        %cond3A_252 = arith.cmpi ne, %convert_element_type3A_250, %cond3A_251 : i32
        scf.if %cond3A_252 {
        } else {
        }
        %and3A_253 = arith.constant false
        %and3A_254 = arith.andi %and3A_249, %and3A_253 : i1
        %add3A_255 = arith.constant 100 : i32
        %add3A_256 = arith.addi %add3A_133, %add3A_255 : i32
        %add3A_257 = arith.constant 100 : i32
        %add3A_258 = arith.addi %add3A_142, %add3A_257 : i32
        %ne3A_259 = arith.cmpi ne, %add3A_256, %add3A_258 : i32
        %or3A_260 = arith.constant false
        %or3A_261 = arith.ori %or3A_260, %ne3A_259 : i1
        %or3A_262 = arith.constant false
        %or3A_263 = arith.ori %or3A_261, %or3A_262 : i1
        %not3A_264 = arith.constant true
        %not3A_265 = arith.xori %eq3A_130, %not3A_264 : i1
        %and3A_266 = arith.andi %or3A_263, %not3A_265 : i1
        %convert_element_type3A_267 = arith.extui %and3A_266 : i1 to i32
        %cond3A_268 = arith.constant 0 : i32
        %cond3A_269 = arith.cmpi ne, %convert_element_type3A_267, %cond3A_268 : i32
        scf.if %cond3A_269 {
          "tpu.trace_start"() <{level = 10 : i32, message = "ep_wait_out"}> : () -> ()
          %rem3A_292 = arith.constant 2 : i32
          %rem3A_293 = arith.remui %scan3A_127, %rem3A_292 : i32
          %add3A_294 = arith.constant 100 : i32
          %add3A_295 = arith.addi %add3A_142, %add3A_294 : i32
          %mul3A_296 = arith.constant 1000 : i32
          %mul3A_297 = arith.muli %mul3A_296, %add3A_295 : i32
          %dma_wait3A_298 = arith.constant 0 : i32
          %dma_wait3A_299 = arith.constant 0 : i32
          %dma_wait3A_300 = tpu.memref_slice %run_scoped3A_8[%rem3A_293, %dma_wait3A_298, %dma_wait3A_299] : memref<2x1000x32xf32, #tpu.memory_space<vmem>> -> memref<1x1000x32xf32, #tpu.memory_space<vmem>>
          %dma_wait3A_301 = tpu.memref_squeeze %dma_wait3A_300 : memref<1x1000x32xf32, #tpu.memory_space<vmem>> -> memref<1000x32xf32, #tpu.memory_space<vmem>>
          %dma_wait3A_302 = arith.constant 0 : i32
          %dma_wait3A_303 = tpu.memref_slice %arg4[%mul3A_297, %dma_wait3A_302] : memref<1700000x128xf32, #tpu.memory_space<hbm>> -> memref<1000x32xf32, #tpu.memory_space<hbm>>
          %dma_wait3A_304 = tpu.memref_slice %run_scoped3A_9[%rem3A_293] : memref<2x!tpu.dma_semaphore, #tpu.memory_space<semaphore_mem>> -> memref<1x!tpu.dma_semaphore, #tpu.memory_space<semaphore_mem>>
          %dma_wait3A_305 = tpu.memref_squeeze %dma_wait3A_304 : memref<1x!tpu.dma_semaphore, #tpu.memory_space<semaphore_mem>> -> memref<!tpu.dma_semaphore, #tpu.memory_space<semaphore_mem>>
          %dma_wait3A_306 = arith.constant 0 : i32
          %dma_wait3A_307 = tpu.memref_slice %arg4[%mul3A_297, %dma_wait3A_306] : memref<1700000x128xf32, #tpu.memory_space<hbm>> -> memref<1000x32xf32, #tpu.memory_space<hbm>>
          %dma_wait3A_308 = arith.constant 0 : i32
          %dma_wait3A_309 = arith.constant 0 : i32
          %dma_wait3A_310 = tpu.memref_slice %run_scoped3A_8[%rem3A_293, %dma_wait3A_308, %dma_wait3A_309] : memref<2x1000x32xf32, #tpu.memory_space<vmem>> -> memref<1x1000x32xf32, #tpu.memory_space<vmem>>
          %dma_wait3A_311 = tpu.memref_squeeze %dma_wait3A_310 : memref<1x1000x32xf32, #tpu.memory_space<vmem>> -> memref<1000x32xf32, #tpu.memory_space<vmem>>
          tpu.wait_dma2 semaphore(%dma_wait3A_305 : memref<!tpu.dma_semaphore, #tpu.memory_space<semaphore_mem>>) src(%dma_wait3A_311 : memref<1000x32xf32, #tpu.memory_space<vmem>>) dst(%dma_wait3A_307 : memref<1000x32xf32, #tpu.memory_space<hbm>>)
          "tpu.trace_stop"() : () -> ()
        } else {
        }
        %and3A_270 = arith.constant true
        %and3A_271 = arith.andi %and3A_266, %and3A_270 : i1
        %add3A_272 = arith.constant 1 : i32
        %add3A_273 = arith.addi %scan3A_127, %add3A_272 : i32
        %select_n3A_274 = arith.select %and3A_271, %add3A_273, %scan3A_127 : i32
        %ne3A_275 = arith.cmpi ne, %add3A_133, %add3A_151 : i32
        %or3A_276 = arith.constant false
        %or3A_277 = arith.ori %or3A_276, %ne3A_275 : i1
        %or3A_278 = arith.constant false
        %or3A_279 = arith.ori %or3A_277, %or3A_278 : i1
        %or3A_280 = arith.ori %or3A_279, %eq3A_132 : i1
        %add3A_281 = arith.constant 1 : i32
        %add3A_282 = arith.addi %scan3A_125, %add3A_281 : i32
        %select_n3A_283 = arith.select %or3A_280, %add3A_282, %scan3A_125 : i32
        %add3A_284 = arith.constant 1 : i32
        %add3A_285 = arith.addi %scan3A_128, %add3A_284 : i32
        %select_n3A_286 = arith.constant true
        %select_n3A_287 = arith.select %select_n3A_286, %add3A_285, %scan3A_128 : i32
        %eq3A_288 = arith.constant 50 : i32
        %eq3A_289 = arith.cmpi eq, %select_n3A_287, %eq3A_288 : i32
        %select_n3A_290 = arith.constant 0 : i32
        %select_n3A_291 = arith.select %eq3A_289, %select_n3A_290, %select_n3A_287 : i32
        scf.yield %select_n3A_171, %select_n3A_283, %select_n3A_241, %select_n3A_274, %select_n3A_291 : i32, i32, i32, i32, i32
      }
      %scan3A_68 = arith.constant 50 : i32
      %sub3A = arith.constant 1 : i32
      %sub3A_69 = arith.subi %scan3A_67#4, %sub3A : i32
      %select_n3A_70 = arith.constant true
      %select_n3A_71 = arith.select %select_n3A_70, %sub3A_69, %scan3A_67#4 : i32
      %eq3A_72 = arith.constant -1 : i32
      %eq3A_73 = arith.cmpi eq, %select_n3A_71, %eq3A_72 : i32
      %select_n3A_74 = arith.constant 49 : i32
      %select_n3A_75 = arith.select %eq3A_73, %select_n3A_74, %select_n3A_71 : i32
      %add3A_76 = arith.addi %select_n3A_75, %mul3A_6 : i32
      %sub3A_77 = arith.constant 1 : i32
      %sub3A_78 = arith.subi %select_n3A_75, %sub3A_77 : i32
      %select_n3A_79 = arith.constant true
      %select_n3A_80 = arith.select %select_n3A_79, %sub3A_78, %select_n3A_75 : i32
      %eq3A_81 = arith.constant -1 : i32
      %eq3A_82 = arith.cmpi eq, %select_n3A_80, %eq3A_81 : i32
      %select_n3A_83 = arith.constant 49 : i32
      %select_n3A_84 = arith.select %eq3A_82, %select_n3A_83, %select_n3A_80 : i32
      %add3A_85 = arith.addi %select_n3A_84, %mul3A_6 : i32
      %add3A_86 = arith.constant 1 : i32
      %add3A_87 = arith.addi %select_n3A_75, %add3A_86 : i32
      %select_n3A_88 = arith.constant true
      %select_n3A_89 = arith.select %select_n3A_88, %add3A_87, %select_n3A_75 : i32
      %eq3A_90 = arith.constant 50 : i32
      %eq3A_91 = arith.cmpi eq, %select_n3A_89, %eq3A_90 : i32
      %select_n3A_92 = arith.constant 0 : i32
      %select_n3A_93 = arith.select %eq3A_91, %select_n3A_92, %select_n3A_89 : i32
      %add3A_94 = arith.addi %select_n3A_93, %mul3A_6 : i32
      %add3A_95 = arith.constant 1 : i32
      %add3A_96 = arith.addi %select_n3A_93, %add3A_95 : i32
      %select_n3A_97 = arith.constant true
      %select_n3A_98 = arith.select %select_n3A_97, %add3A_96, %select_n3A_93 : i32
      %eq3A_99 = arith.constant 50 : i32
      %eq3A_100 = arith.cmpi eq, %select_n3A_98, %eq3A_99 : i32
      %select_n3A_101 = arith.constant 0 : i32
      %select_n3A_102 = arith.select %eq3A_100, %select_n3A_101, %select_n3A_98 : i32
      %add3A_103 = arith.addi %select_n3A_102, %mul3A_6 : i32
      "tpu.trace_start"() <{level = 10 : i32, message = "ep_finalize"}> : () -> ()
      %rem3A_104 = arith.constant 2 : i32
      %rem3A_105 = arith.remui %scan3A_67#3, %rem3A_104 : i32
      %add3A_106 = arith.constant 100 : i32
      %add3A_107 = arith.addi %add3A_76, %add3A_106 : i32
      %mul3A_108 = arith.constant 1000 : i32
      %mul3A_109 = arith.muli %mul3A_108, %add3A_107 : i32
      %dma_wait3A = arith.constant 0 : i32
      %dma_wait3A_110 = arith.constant 0 : i32
      %dma_wait3A_111 = tpu.memref_slice %run_scoped3A_8[%rem3A_105, %dma_wait3A, %dma_wait3A_110] : memref<2x1000x32xf32, #tpu.memory_space<vmem>> -> memref<1x1000x32xf32, #tpu.memory_space<vmem>>
      %dma_wait3A_112 = tpu.memref_squeeze %dma_wait3A_111 : memref<1x1000x32xf32, #tpu.memory_space<vmem>> -> memref<1000x32xf32, #tpu.memory_space<vmem>>
      %dma_wait3A_113 = arith.constant 0 : i32
      %dma_wait3A_114 = tpu.memref_slice %arg4[%mul3A_109, %dma_wait3A_113] : memref<1700000x128xf32, #tpu.memory_space<hbm>> -> memref<1000x32xf32, #tpu.memory_space<hbm>>
      %dma_wait3A_115 = tpu.memref_slice %run_scoped3A_9[%rem3A_105] : memref<2x!tpu.dma_semaphore, #tpu.memory_space<semaphore_mem>> -> memref<1x!tpu.dma_semaphore, #tpu.memory_space<semaphore_mem>>
      %dma_wait3A_116 = tpu.memref_squeeze %dma_wait3A_115 : memref<1x!tpu.dma_semaphore, #tpu.memory_space<semaphore_mem>> -> memref<!tpu.dma_semaphore, #tpu.memory_space<semaphore_mem>>
      %dma_wait3A_117 = arith.constant 0 : i32
      %dma_wait3A_118 = tpu.memref_slice %arg4[%mul3A_109, %dma_wait3A_117] : memref<1700000x128xf32, #tpu.memory_space<hbm>> -> memref<1000x32xf32, #tpu.memory_space<hbm>>
      %dma_wait3A_119 = arith.constant 0 : i32
      %dma_wait3A_120 = arith.constant 0 : i32
      %dma_wait3A_121 = tpu.memref_slice %run_scoped3A_8[%rem3A_105, %dma_wait3A_119, %dma_wait3A_120] : memref<2x1000x32xf32, #tpu.memory_space<vmem>> -> memref<1x1000x32xf32, #tpu.memory_space<vmem>>
      %dma_wait3A_122 = tpu.memref_squeeze %dma_wait3A_121 : memref<1x1000x32xf32, #tpu.memory_space<vmem>> -> memref<1000x32xf32, #tpu.memory_space<vmem>>
      tpu.wait_dma2 semaphore(%dma_wait3A_116 : memref<!tpu.dma_semaphore, #tpu.memory_space<semaphore_mem>>) src(%dma_wait3A_122 : memref<1000x32xf32, #tpu.memory_space<vmem>>) dst(%dma_wait3A_118 : memref<1000x32xf32, #tpu.memory_space<hbm>>)
      "tpu.trace_stop"() : () -> ()
      tpu.yield
    }) : () -> ()
    return
  }
}

</mosaic_0001>

<sc_bundles>
// kernel: kernel.4.cloned.1.call-start
scs
__scs_entry_jumppad:
0x0: {  	(pc) =	sbr.rel $0x88, $3  }
0x1: {  	(tag) =	ssettag $0x0;
	lr =	simm.s32 $0x1  }
0x2: {  	[smem:$0x3F9D] =	sst lr;
	_ =	strace $0xD0000000  }
0x3: {  	_ = 	snop  }
0x4: {  	_ = 	snop  }
0x5: {  	_ = 	snop  }
0x6: {  	_ = 	snop  }
0x7: {  	_ = 	snop  }
__scs_overlays_trampoline_lowered:
0x8: {  	[smem:$0x3FAC] =	sst s0  }
0x9: {  	[smem:$0x3FAD] =	sst s1  }
0xa: {  	[smem:$0x3FAE] =	sst s2  }
0xb: {  	[smem:$0x3FAF] =	sst s3  }
0xc: {  	[smem:$0x3FB0] =	sst s4  }
0xd: {  	[smem:$0x3FB1] =	sst s5  }
0xe: {  	[smem:$0x3FB2] =	sst s6  }
0xf: {  	[smem:$0x3FB3] =	sst s7  }
0x10: {  	[smem:$0x3FB4] =	sst s8  }
0x11: {  	[smem:$0x3FB5] =	sst s9;
	s0 =	simm.s32 @!p0 $0x0  }
0x12: {  	s1 =	sld [smem:$0x3F9B];
	s0 =	simm.s32 @p0 $0x1  }
0x13: {  	[smem:$0x3FB6] =	sst s0;
	s0 =	simm.s32 @!p1 $0x0  }
0x14: {  	s2 =	sld [smem:$0x3F9A];
	s0 =	simm.s32 @p1 $0x1  }
0x15: {  	[smem:$0x3FB7] =	sst s0;
	s0 =	simm.s32 @!p2 $0x0  }
0x16: {  	s3 =	sld [smem:$0x3FDB];
	s0 =	simm.s32 @p2 $0x1  }
0x17: {  	s4 =	simm.s32 $0x1BF5;
	[smem:$0x3FB9] =	sst s0  }
0x18: {  	s0 =	sld [smem:$0x3F9C];
	_ =	swait.ge [sflag:s4], $0x0  }
0x19: {  	s7 =	sld [smem:$0x3F9D]  }
0x1a: {  	s8 =	sadd.s32 $0xFFFFE003, lr  }
0x1b: {  	s9 =	sadd.s32 $0xFFFFFEF7, lr;
	s5 =	simm.s32 $0xFFFFFFFF;
	p2 =	slt.u32 s8, $0xFFFFF086  }
0x1c: {  	p1 =	slt.u32 s9, $0xF7A;
	s5 =	simm.s32 @!p2 $0x0  }
0x1d: {  	s5 =	simm.s32 @p1 $0x1;
	p0 =	seq.s32 s7, s2  }
0x1e: {  	s7 =	smul.u32 @!p0 $0xF7A, s2;
	p2 =	seq.s32 @!p0 s5, $0x0  }
0x1f: {  	s9 =	smul.u32 $0xF7A, s1;
	s8 =	simm.s32 @!p0 $0x1BF5;
	p2 =	por !p2, p0  }
0x20: {  	[sflag:s8] =	ssyncset.s32 @!p0 $0xFFFFF086;
	s6 =	sadd.s32 @!p0 s3, s7;
	s7 =	simm.s32 @!p0 $0x108  }
0x21: {  	s3 =	sadd.s32 s3, s9;
	s6 =	sadd.s32 @!p0 $0x88, s6;
	s7 =	simm.s32 @p2 $0x1082  }
0x22: {  	[simem:s7], [sflag:s8] =	dma.local @!p0 [hbm:s6], $0xF7A  }
0x23: {  	s9 =	sor.u32 $0xD0000000, s2;
	s6 =	simm.s32 $0x108;
	_ =	swait.ge @!p0 [sflag:s8], $0x0  }
0x24: {  	s3 =	sadd.s32 $0x88, s3;
	s6 =	simm.s32 @!p1 $0x1082;
	[sflag:s4] =	ssyncset.s32 $0xFFFFF086  }
0x25: {  	[simem:s6], [sflag:s4] =	dma.local [hbm:s3], $0xF7A  }
0x26: {  	[smem:$0x3F9D] =	sst s1;
	(tag) =	ssettag s2;
	_ =	strace s9  }
0x27: {  	s1 =	sld [smem:$0x3FAD]  }
0x28: {  	s2 =	sld [smem:$0x3FAE]  }
0x29: {  	s4 =	sld [smem:$0x3FB0]  }
0x2a: {  	p0 =	seq.s32 s5, $0x0;
	s5 =	sld [smem:$0x3FB1]  }
0x2b: {  	s6 =	sld [smem:$0x3FB2]  }
0x2c: {  	s7 =	sld [smem:$0x3FB3]  }
0x2d: {  	s3 =	simm.s32 $0x108;
	s8 =	sld [smem:$0x3FB4]  }
0x2e: {  	s3 =	simm.s32 @!p0 $0x1082;
	s9 =	sld [smem:$0x3FB5]  }
0x2f: {  	lr =	sadd.s32 s0, s3;
	s0 =	sld [smem:$0x3FAC]  }
0x30: {  	s3 =	sld [smem:$0x3FAF]  }
0x31: {  	[smem:$0x3FB8] =	sst s10  }
0x32: {  	s10 =	sld [smem:$0x3FB6];
	_ =	sdelay $0x3  }
0x33: {  	p0 =	seq.s32 s10, $0x1;
	s10 =	sld [smem:$0x3FB8];
	_ =	sdelay $0x3  }
0x34: {  	[smem:$0x3FB8] =	sst s10  }
0x35: {  	s10 =	sld [smem:$0x3FB7];
	_ =	sdelay $0x3  }
0x36: {  	p1 =	seq.s32 s10, $0x1;
	s10 =	sld [smem:$0x3FB8];
	_ =	sdelay $0x3  }
0x37: {  	[smem:$0x3FB8] =	sst s10  }
0x38: {  	s10 =	sld [smem:$0x3FB9]  }
0x39: {  	_ = 	snop;
	(pc) =	sbr.ind lr, $3  }
0x3a: {  	_ = 	snop  }
0x3b: {  	_ = 	snop  }
0x3c: {  	p2 =	seq.s32 s10, $0x1;
	s10 =	sld [smem:$0x3FB8]  }
0x3d: {  	_ =	shalt  }
0x3e: {  	_ =	shalt  }
0x3f: {  	_ =	shalt  }
0x40: {  	_ =	shalt  }
0x41: {  	_ =	shalt  }
0x42: {  	_ =	shalt  }
0x43: {  	_ =	shalt  }
0x44: {  	_ =	shalt  }
0x45: {  	_ =	shalt  }
0x46: {  	_ =	shalt  }
0x47: {  	_ =	shalt  }
0x48: {  	_ =	shalt  }
0x49: {  	_ =	shalt  }
0x4a: {  	_ =	shalt  }
0x4b: {  	_ =	shalt  }
0x4c: {  	_ =	shalt  }
0x4d: {  	_ =	shalt  }
0x4e: {  	_ =	shalt  }
0x4f: {  	_ =	shalt  }
0x50: {  	_ =	shalt  }
0x51: {  	_ =	shalt  }
0x52: {  	_ =	shalt  }
0x53: {  	_ =	shalt  }
0x54: {  	_ =	shalt  }
0x55: {  	_ =	shalt  }
0x56: {  	_ =	shalt  }
0x57: {  	_ =	shalt  }
0x58: {  	_ =	shalt  }
0x59: {  	_ =	shalt  }
0x5a: {  	_ =	shalt  }
0x5b: {  	_ =	shalt  }
0x5c: {  	_ =	shalt  }
0x5d: {  	_ =	shalt  }
0x5e: {  	_ =	shalt  }
0x5f: {  	_ =	shalt  }
0x60: {  	_ =	shalt  }
0x61: {  	_ =	shalt  }
0x62: {  	_ =	shalt  }
0x63: {  	_ =	shalt  }
0x64: {  	_ =	shalt  }
0x65: {  	_ =	shalt  }
0x66: {  	_ =	shalt  }
0x67: {  	_ =	shalt  }
0x68: {  	_ =	shalt  }
0x69: {  	_ =	shalt  }
0x6a: {  	_ =	shalt  }
0x6b: {  	_ =	shalt  }
0x6c: {  	_ =	shalt  }
0x6d: {  	_ =	shalt  }
0x6e: {  	_ =	shalt  }
0x6f: {  	_ =	shalt  }
0x70: {  	_ =	shalt  }
0x71: {  	_ =	shalt  }
0x72: {  	_ =	shalt  }
0x73: {  	_ =	shalt  }
0x74: {  	_ =	shalt  }
0x75: {  	_ =	shalt  }
0x76: {  	_ =	shalt  }
0x77: {  	_ =	shalt  }
0x78: {  	_ =	shalt  }
0x79: {  	_ =	shalt  }
0x7a: {  	_ =	shalt  }
0x7b: {  	_ =	shalt  }
0x7c: {  	_ =	shalt  }
0x7d: {  	_ =	shalt  }
0x7e: {  	_ =	shalt  }
0x7f: {  	_ =	shalt  }
0x80: {  	_ =	shalt  }
0x81: {  	_ =	shalt  }
0x82: {  	_ =	shalt  }
0x83: {  	_ =	shalt  }
0x84: {  	_ =	shalt  }
0x85: {  	_ =	shalt  }
0x86: {  	_ =	shalt  }
0x87: {  	_ =	shalt  }
.Lfunc_end0:
.L_simem_size_0:
called_computation.1_lowered:
.L_overlay_start_0:
0x88: {  	s2 =	sld [smem:$0x3FD9]  }
0x89: {  	s3 =	sld [smem:$0x3FFE];
	_ =	sdelay $0x1  }
0x8a: {  	s1 =	srdreg.scid  }
0x8b: {  	s0 =	sand.u32 $0x1, s1  }
0x8c: {  	s17 =	sshll.u32 s0, $0xA;
	s2 =	sadd.s32 s3, s2  }
0x8d: {  	s2 =	sadd.s32 s2, s17  }
0x8e: {  	[smem:$0x3FC4] =	sst s2  }
0x8f: {  	_ = 	snop  }
0x90: {  	(tm) =	ssettm $0x1  }
0x91: {  	s18 =	sld [smem:$0x3FFB];
	_ =	sdelay $0x3  }
0x92: {  	_ =	strace s18  }
0x93: {  	s2 =	sld [smem:$0x3FFC];
	_ =	sdelay $0x3  }
0x94: {  	_ =	strace s2  }
0x95: {  	s2 =	sld [smem:$0x3FFD];
	_ =	sdelay $0x3  }
0x96: {  	_ =	strace s2  }
0x97: {  	_ =	strace $0x8FFFFFFF  }
0x98: {  	s19 =	sld [smem:$0x3FDB];
	_ =	sdelay $0x1  }
0x99: {  	s20 =	simm.s32 $_scs_section_size  }
0x9a: {  	s4 =	simm.s32 $_size__tile_overlayer_lowered;
	s5 =	simm.s32 $_tile_overlayer_lowered  }
0x9b: {  	s6 =	simm.s32 $0x1BFF;
	s21 =	sshll.u32 s5, $0x1;
	s3 =	sadd.s32 s20, s19  }
0x9c: {  	s22 =	simm.s32 $0x0;
	s4 =	sshll.u32 s4, $0x1;
	s5 =	sadd.s32 s21, s3  }
0x9d: {  	[timem:s22], [sflag:s6] =	dma.local [hbm:s5], s4  }
0x9e: {  	_ =	swait.ge [sflag:s6], s4  }
0x9f: {  	s4 =	ssub.s32 $0x0, s4;
	[sflag:s6] =	ssyncset.done $0x0  }
0xa0: {  	[sflag:s6] =	ssyncadd.s32 s4;
	_ =	sdelay $0x1  }
0xa1: {  	s23 =	simm.s32 $0x1B8B  }
0xa2: {  	_ =	swait.ge [sflag:s23], $0x1  }
0xa3: {  	[sflag:s23] =	ssyncset.done $0x0  }
0xa4: {  	[sflag:s23] =	ssyncadd.s32 $0xFFFFFFFF  }
0xa5: {  	s4 =	sld [smem:$0x0]  }
0xa6: {  	s5 =	sand.u32 $0xFFFFFFFE, s1  }
0xa7: {  	p0 =	sne.s32 s1, s5  }
0xa8: {  	s5 =	sshll.u32 @p0 s5, $0xE  }
0xa9: {  	s5 =	sadd.s32 @p0 $0x11B8D, s5;
	s6 =	sshll.u32 @p0 s4, $0x11  }
0xaa: {  	s5 =	sor.u32 @p0 s6, s5  }
0xab: {  	[sflag:s5] =	ssyncadd.remote.s32 @p0 $0x1;
	_ =	sdelay $0x1  }
0xac: {  	s5 =	simm.s32 @p0 $0x1B8D  }
0xad: {  	_ =	swait.eq @p0 [sflag:s5], $0x1  }
0xae: {  	[sflag:s5] =	ssyncadd.s32 @p0 $0xFFFFFFFF  }
0xaf: {  	s6 =	sshll.u32 @!p0 s1, $0xE  }
0xb0: {  	s6 =	sor.u32 @!p0 $0x4000, s6;
	s5 =	simm.s32 @!p0 $0x1B8D  }
0xb1: {  	s4 =	sshll.u32 @!p0 s4, $0x11;
	s6 =	sadd.s32 @!p0 $0x11B8D, s6;
	_ =	swait.eq @!p0 [sflag:s5], $0x1  }
0xb2: {  	s4 =	sor.u32 @!p0 s4, s6;
	[sflag:s5] =	ssyncadd.s32 @!p0 $0xFFFFFFFF  }
0xb3: {  	s25 =	simm.s32 $0x1B8E;
	s24 =	sld [smem:$0x3FFE];
	[sflag:s4] =	ssyncadd.remote.s32 @!p0 $0x1  }
0xb4: {  	s26 =	simm.s32 $execute0_lowered;
	[smem:$0x3FD2] =	sst s25  }
0xb5: {  	s5 =	sshll.u32 s26, $0x1;
	_ =	strace $0x80000050;
	[dreg:$0x1] =	wrdreg $0xFFFFFFFF  }
0xb6: {  	s28 =	simm.s32 $_size_execute0_lowered;
	s3 =	sadd.s32 s3, s5;
	[dreg:$0x0] =	wrdreg $0x0  }
0xb7: {  	s5 =	sshll.u32 s28, $0x1;
	[dreg:$0x2] =	wrdreg s3  }
0xb8: {  	[dreg:$0x3] =	wrdreg s5  }
0xb9: {  	[dreg:$0x4] =	wrdreg $0xC0  }
0xba: {  	_ =	task [dreg:s22], $0x5FFFF  }
0xbb: {  	[dreg:$0x1] =	wrdreg $0xFFFFFFFF  }
0xbc: {  	[dreg:$0x0] =	wrdreg $0x60  }
0xbd: {  	[dreg:$0x2] =	wrdreg s24  }
0xbe: {  	[dreg:$0x3] =	wrdreg $0x9  }
0xbf: {  	_ =	task.clear_ibuf [dreg:s22], $0x4FFFF;
	_ =	strace $0x90000050  }
0xc0: {  	s29 =	simm.s32 $0x9;
	_ =	strace $0x80000059  }
0xc1: {  	_ =	swait.ge [sflag:s29], $0x1  }
0xc2: {  	[sflag:s29] =	ssyncadd.s32 $0xFFFFFFFF  }
0xc3: {  	_ =	strace $0x90000059  }
0xc4: {  	_ =	sfence  }
0xc5: {  	s30 =	sld [smem:$0x0];
	_ =	sdelay $0x2  }
0xc6: {  	s31 =	sshll.u32 s1, $0xD;
	s1 =	sshrl.u32 s1, $0x2  }
0xc7: {  	s4 =	sand.u32 $0x4000, s31;
	s1 =	sadd.s32 s1, s30  }
0xc8: {  	s0 =	sor.u32 s4, s0;
	s1 =	sshll.u32 s1, $0x11  }
0xc9: {  	s0 =	sor.u32 s1, s0  }
0xca: {  	s0 =	sadd.s32 $0x8F2B, s0  }
0xcb: {  	[sflag:s0] =	ssyncadd.remote.s32 $0x1  }
0xcc: {  	_ =	sfence.sel $0xFFFF  }
0xcd: {  	[dreg:$0x0] =	wrdreg $0xFFFFFFFF;
	(pc) =	sbr.abs _section_cstart, $3  }
0xce: {  	[dreg:$0x1] =	wrdreg $0xFFFFFFFF  }
0xcf: {  	_ =	task.clear_ibuf [dreg:s22], $0x2FFFF;
	_ =	strace $0x9FFFFFFF  }
0xd0: {  	(tm) =	ssettm $0x7FFFFFFF  }
0xd1: {  	_ =	shalt  }
tec
execute0_lowered:
.L_overlay_start_1:
0x0: {  	(tag) =	ssettag $0x1  }
0x1: {  	s3 =	rddreg [dreg:$0x0];
	s1 =	simm.s32 $0x0  }
0x2: {  	s2 =	srdreg.scid;
	s0 =	stileid.u32;
	s8 =	simm.s32 $0x3E8  }
0x3: {  	s9 =	simm.s32 $0x5;
	s10 =	simm.s32 $0x4;
	s11 =	simm.s32 $0x0  }
0x4: {  	[smem:$0x7FF] =	sst s1;
	s4 =	sand.u32 $0x1, s2;
	s5 =	sadd.s32 $0x1B8800, s3  }
0x5: {  	s30 =	sadd.s32 $0x1D7C00, s3;
	s3 =	sadd.s32 $0x187A00, s3;
	s6 =	sshll.u32 s4, $0x4  }
0x6: {  	_ =	strace $0x80000051;
	s4 =	ssub.s32 $0x2, s4;
	s29 =	sor.u32 s0, s6  }
0x7: {  	[dreg:$0x2] =	wrdreg s5;
	s31 =	sshrl.u32 s4, $0x1;
	s7 =	smul.u32 $0x186A, s29  }
0x8: {  	[dreg:$0x3] =	wrdreg s30;
	s6 =	ssub.s32 s4, s31;
	s4 =	smul.u32 $0x32, s29  }
0x9: {  	s6 =	smax.u32 s6, $0x1;
	s5 =	sadd.s32 s3, s7;
	s7 =	simm.s32 $0x1  }
.LBB2_1:
0xa: {  	_ =	strace $0x80000052;
	s13 =	simm.s32 $0x1  }
0xb: {  	p0 =	por $0x0, $0x0;
	p1 =	por $0x1, $0x1;
	s21 =	sand.u32 $0x1, s1  }
0xc: {  	[tilespmem:s1], [sflag:$0x1] =	stream.linear.gather [hbm4b:s5+s1], $0x3E8, $0x200038;
	[tilespmem:$0x101D0] =	vst v63  }
0xd: {  	s20 =	sadd.s32 $0x0, s4;
	p4 =	por $0x0, $0x0;
	s13 =	simm.s32 @p0 $0x0  }
0xe: {  	s23 =	simm.s32 $0x1;
	s24 =	simm.s32 $0x3E8;
	p0 =	sne.s32 s13, $0x0  }
0xf: {  	p6 =	por $0x0, $0x0;
	p5 =	por $0x1, $0x1;
	p1 =	por !p1, !p0  }
0x10: {  	s28 =	simm.s32 $0x1;
	s25 =	sadd.s32 $0x1, s21;
	p1 =	por !p1, !p1  }
0x11: {  	p3 =	seq.s32 s21, $0x1;
	s26 =	smul.u32 $0x1F400, s21;
	s12 =	sadd.s32 @p1 s4, s13  }
0x12: {  	_ =	strace $0x90000052;
	s14 =	sand.u32 @p1 $0x1, s7;
	s12 =	smul.u32 @p1 $0x3E8, s12  }
0x13: {  	s18 =	sadd.s32 $0x1, s13;
	s24 =	simm.s32 @!p3 $0x0;
	s15 =	smul.u32 @p1 $0xFA0, s14  }
0x14: {  	s17 =	simm.s32 @p1 $0x0;
	_ =	strace @p1 $0x80000053;
	s16 =	sshrl.u32 @p1 s12, $0x3  }
0x15: {  	s14 =	sadd.s32 @p1 $0x1, s14;
	s15 =	sshrl.u32 @p1 s15, $0x2;
	s16 =	sadd.s32 @p1 s3, s16  }
0x16: {  	[tilespmem:s15], [sflag:s14] =	stream.linear.gather @p1 [hbm4b:s16+s17], $0x3E8, $0x200038;
	[tilespmem:$0x101D0] =	vst v63  }
0x17: {  	p2 =	por p0, p0;
	s30 =	sshrl.u32 s26, $0x2;
	_ =	strace @p1 $0x90000053  }
0x18: {  	p0 =	por $0x0, $0x0;
	s22 =	sadd.s32 $0x7D0, s30;
	_ =	strace $0x80000054  }
0x19: {  	s23 =	simm.s32 @!p0 $0x0;
	p0 =	seq.s32 s18, $0x32;
	_ =	swait.ge [sflag:s25], $0x3E8  }
0x1a: {  	p6 =	por p6, p2;
	s18 =	simm.s32 @p0 $0x0;
	[sflag:s25] =	ssyncset.done $0x0  }
0x1b: {  	s29 =	smul.u32 @p6 $0x1F400, s20;
	p3 =	sne.s32 s13, s18;
	[sflag:s25] =	ssyncadd.s32 $0xFFFFFC18  }
0x1c: {  	s20 =	simm.s32 $0x0;
	p5 =	por !p5, !p3;
	_ =	strace $0x90000054  }
0x1d: {  	s12 =	simm.s32 $0x31;
	p2 =	por !p5, !p5;
	_ =	strace $0x80000055  }
0x1e: {  	s28 =	simm.s32 @!p2 $0x0;
	s14 =	simm.s32 $0x1;
	s31 =	rddreg [dreg:$0x2]  }
0x1f: {  	[tilespmem:s22], [sflag:$0x5] =	stream.indirect.gather [hbm4b:s31+s8], $0x20, s24, s8, $0x2000b8;
	[tilespmem:$0x101D0] =	vst v63  }
0x20: {  	s16 =	simm.s32 $0x30;
	s14 =	simm.s32 @!p1 $0x0;
	_ =	swait.ge [sflag:s9], $0x7D00  }
0x21: {  	p1 =	por $0x1, $0x1;
	s15 =	sadd.s32 $0x1, s14;
	[sflag:s9] =	ssyncset.done $0x0  }
0x22: {  	s14 =	sand.u32 @!p1 $0x1, s1;
	p1 =	por p1, p1;
	[sflag:s9] =	ssyncadd.s32 $0xFFFF8300  }
0x23: {  	s17 =	simm.s32 $0x0;
	s19 =	sadd.s32 @!p1 $0x3, s14;
	_ =	strace $0x90000055  }
0x24: {  	s14 =	sadd.s32 $0x0, s23;
	s23 =	sadd.s32 @p2 s4, s18;
	_ =	strace @p6 $0x80000056  }
0x25: {  	s25 =	simm.s32 @p6 $0x20;
	s24 =	sand.u32 @p2 $0x1, s15;
	s26 =	rddreg [dreg:$0x3]  }
.LBB2_2:
0x26: {  	s15 =	sadd.s32 s28, s15  }
0x27: {  	s21 =	sadd.s32 @p6 $0x3, s21;
	s28 =	smov.u32 s13;
	p0 =	por p3, p3  }
0x28: {  	s13 =	smul.u32 @p2 $0xFA0, s24;
	s0 =	simm.s32 @!p0 $0x0;
	s29 =	sadd.s32 @p6 $0xC35000, s29  }
0x29: {  	s31 =	simm.s32 @p6 $0x80;
	s0 =	simm.s32 @p0 $0x1;
	s29 =	sshrl.u32 @p6 s29, $0x3  }
0x2a: {  	s2 =	sshrl.u32 @p2 s13, $0x2;
	[smem:$0x7FD] =	sst s0;
	s13 =	sadd.s32 @p6 s26, s29  }
0x2b: {  	[hbm4b:s13+s25] =	stream.strided.scatter @p6 [tilespmem:s22], [sflag:s21], $0x7D00, s31, s25, $0x200038;
	[tilespmem:$0x101D0] =	vst v63  }
0x2c: {  	s30 =	smul.u32 @p2 $0x3E8, s23;
	_ =	strace @p6 $0x90000056  }
0x2d: {  	s23 =	smov.u32 s12;
	s12 =	smov.u32 s16;
	_ =	strace @!p1 $0x80000057  }
0x2e: {  	s16 =	sadd.s32 $0xFFFFFFFF, s16;
	s24 =	sadd.s32 @p2 $0x1, s24;
	_ =	swait.ge @!p1 [sflag:s19], $0x7D00  }
0x2f: {  	p5 =	sne.s32 s16, $0x0;
	s30 =	sshrl.u32 @p2 s30, $0x3;
	[sflag:s19] =	ssyncset.done @!p1 $0x0  }
0x30: {  	p0 =	sne.s32 s12, $0x1;
	s26 =	simm.s32 $0x1;
	[sflag:s19] =	ssyncadd.s32 @!p1 $0xFFFF8300  }
0x31: {  	s26 =	simm.s32 @!p6 $0x0;
	s22 =	sadd.s32 @p2 s3, s30;
	_ =	strace @!p1 $0x90000057  }
0x32: {  	s25 =	simm.s32 @p2 $0x0;
	s20 =	sadd.s32 s26, s20;
	_ =	strace @p2 $0x80000053  }
0x33: {  	[tilespmem:s2], [sflag:s24] =	stream.linear.gather @p2 [hbm4b:s22+s25], $0x3E8, $0x200038;
	[tilespmem:$0x101D0] =	vst v63  }
0x34: {  	s0 =	sand.u32 @!p4 $0x1, s14;
	s31 =	sand.u32 $0x1, s20;
	_ =	strace @p2 $0x90000053  }
0x35: {  	s13 =	smov.u32 s18;
	s24 =	sadd.s32 $0x1, s31;
	_ =	strace $0x80000054  }
0x36: {  	s18 =	sadd.s32 $0x1, s18;
	s17 =	sadd.s32 s26, s17;
	_ =	swait.ge [sflag:s24], $0x3E8  }
0x37: {  	s21 =	sand.u32 $0x1, s17;
	p3 =	seq.s32 s31, $0x1;
	[sflag:s24] =	ssyncset.done $0x0  }
0x38: {  	p1 =	por p4, p4;
	s25 =	smul.u32 $0x1F400, s21;
	[sflag:s24] =	ssyncadd.s32 $0xFFFFFC18  }
0x39: {  	p4 =	seq.s32 s12, $0x32;
	s19 =	sadd.s32 @!p1 $0x3, s0;
	_ =	strace $0x90000054  }
0x3a: {  	s26 =	sshrl.u32 s25, $0x2;
	s25 =	simm.s32 $0x3E8;
	_ =	strace $0x80000055  }
0x3b: {  	s22 =	sadd.s32 $0x7D0, s26;
	s25 =	simm.s32 @!p3 $0x0;
	s30 =	rddreg [dreg:$0x2]  }
0x3c: {  	[tilespmem:s22], [sflag:$0x5] =	stream.indirect.gather [hbm4b:s30+s8], $0x20, s25, s8, $0x2000b8;
	[tilespmem:$0x101D0] =	vst v63  }
0x3d: {  	s0 =	simm.s32 $0x1;
	p2 =	sne.s32 s23, $0x32;
	_ =	swait.ge [sflag:s9], $0x7D00  }
0x3e: {  	s0 =	simm.s32 @!p2 $0x0;
	p2 =	seq.s32 s18, $0x32;
	s31 =	sld [smem:$0x7FD]  }
0x3f: {  	s2 =	sadd.s32 s4, s28;
	s28 =	simm.s32 $0x1;
	s18 =	simm.s32 @p2 $0x0  }
0x40: {  	s14 =	sadd.s32 s0, s14;
	p2 =	seq.s32 s23, $0x1;
	p3 =	sne.s32 s13, s18  }
.Ltmp0:
0x41: {  	[sflag:s9] =	ssyncset.done $0x0;
	p6 =	seq.s32 s31, $0x1;
	(pc) =	sbr.rel @p5 .LBB2_2-.Ltmp0, $4  }
0x42: {  	p0 =	por !p0, !p3;
	[sflag:s9] =	ssyncadd.s32 $0xFFFF8300;
	p6 =	por p2, p6  }
0x43: {  	_ =	strace $0x90000055;
	p2 =	por !p0, !p0;
	s25 =	simm.s32 @p6 $0x20  }
0x44: {  	s23 =	sadd.s32 @p2 s4, s18;
	s28 =	simm.s32 @!p2 $0x0;
	_ =	strace @p6 $0x80000056  }
0x45: {  	s24 =	sand.u32 @p2 $0x1, s15;
	s29 =	smul.u32 @p6 $0x1F400, s2;
	s26 =	rddreg [dreg:$0x3]  }
0x46: {  	_ = 	snop  }
0x47: {  	s0 =	sadd.s32 @p6 $0xC35000, s29  }
0x48: {  	s0 =	sshrl.u32 @p6 s0, $0x3  }
0x49: {  	s2 =	sadd.s32 @p6 $0x3, s21;
	s15 =	simm.s32 @p6 $0x80;
	s0 =	sadd.s32 @p6 s26, s0  }
0x4a: {  	[hbm4b:s0+s25] =	stream.strided.scatter @p6 [tilespmem:s22], [sflag:s2], $0x7D00, s15, s25, $0x200038;
	[tilespmem:$0x101D0] =	vst v63  }
0x4b: {  	_ =	strace @p6 $0x90000056  }
0x4c: {  	_ =	strace @!p1 $0x80000057  }
0x4d: {  	s18 =	sadd.s32 @p2 $0x1, s24;
	s0 =	smul.u32 @p2 $0x3E8, s23;
	_ =	swait.ge @!p1 [sflag:s19], $0x7D00  }
0x4e: {  	s2 =	smul.u32 @p2 $0xFA0, s24;
	s15 =	simm.s32 $0x1;
	[sflag:s19] =	ssyncset.done @!p1 $0x0  }
0x4f: {  	s15 =	simm.s32 @!p6 $0x0;
	s0 =	sshrl.u32 @p2 s0, $0x3;
	[sflag:s19] =	ssyncadd.s32 @!p1 $0xFFFF8300  }
0x50: {  	s2 =	sshrl.u32 @p2 s2, $0x2;
	s16 =	sadd.s32 s15, s20;
	_ =	strace @!p1 $0x90000057  }
0x51: {  	s0 =	sadd.s32 @p2 s3, s0;
	s19 =	simm.s32 @p2 $0x0;
	_ =	strace @p2 $0x80000053  }
0x52: {  	[tilespmem:s2], [sflag:s18] =	stream.linear.gather @p2 [hbm4b:s0+s19], $0x3E8, $0x200038;
	[tilespmem:$0x101D0] =	vst v63  }
0x53: {  	s28 =	sand.u32 $0x1, s16;
	_ =	strace @p2 $0x90000053  }
0x54: {  	s29 =	sadd.s32 $0x1, s28;
	_ =	strace $0x80000054  }
0x55: {  	s15 =	sadd.s32 s15, s17;
	_ =	swait.ge [sflag:s29], $0x3E8  }
0x56: {  	s2 =	sand.u32 $0x1, s15;
	[sflag:s29] =	ssyncset.done $0x0  }
0x57: {  	s15 =	smul.u32 $0x1F400, s2;
	[sflag:s29] =	ssyncadd.s32 $0xFFFFFC18  }
0x58: {  	p0 =	seq.s32 s28, $0x1;
	_ =	strace $0x90000054  }
0x59: {  	s31 =	sshrl.u32 s15, $0x2;
	s15 =	simm.s32 $0x3E8;
	_ =	strace $0x80000055  }
0x5a: {  	s0 =	sadd.s32 $0x7D0, s31;
	s15 =	simm.s32 @!p0 $0x0;
	s30 =	rddreg [dreg:$0x2]  }
0x5b: {  	[tilespmem:s0], [sflag:$0x5] =	stream.indirect.gather [hbm4b:s30+s8], $0x20, s15, s8, $0x2000b8;
	[tilespmem:$0x101D0] =	vst v63  }
0x5c: {  	p5 =	por p3, p3;
	p6 =	seq.s32 s12, $0x1;
	_ =	swait.ge [sflag:s9], $0x7D00  }
0x5d: {  	s12 =	sadd.s32 s4, s13;
	p0 =	por p6, p5;
	[sflag:s9] =	ssyncset.done $0x0  }
0x5e: {  	s12 =	smul.u32 @p0 $0x1F400, s12;
	[sflag:s9] =	ssyncadd.s32 $0xFFFF8300  }
0x5f: {  	_ =	strace $0x90000055  }
0x60: {  	s12 =	sadd.s32 @p0 $0xC35000, s12;
	_ =	strace @p0 $0x80000056  }
0x61: {  	s2 =	sadd.s32 @p0 $0x3, s2;
	s12 =	sshrl.u32 @p0 s12, $0x3;
	s13 =	rddreg [dreg:$0x3]  }
0x62: {  	s16 =	simm.s32 @p0 $0x80;
	s15 =	simm.s32 @p0 $0x20;
	s12 =	sadd.s32 @p0 s13, s12  }
0x63: {  	[hbm4b:s12+s15] =	stream.strided.scatter @p0 [tilespmem:s0], [sflag:s2], $0x7D00, s16, s15, $0x200038;
	[tilespmem:$0x101D0] =	vst v63  }
0x64: {  	p1 =	por p4, p4;
	s0 =	sand.u32 @!p4 $0x1, s14;
	_ =	strace @p0 $0x90000056  }
0x65: {  	s0 =	sadd.s32 @!p1 $0x3, s0;
	_ =	strace @!p1 $0x80000057  }
0x66: {  	_ =	swait.ge @!p1 [sflag:s0], $0x7D00  }
0x67: {  	[sflag:s0] =	ssyncset.done @!p1 $0x0  }
0x68: {  	s11 =	sadd.s32 $0x1, s11;
	[sflag:s0] =	ssyncadd.s32 @!p1 $0xFFFF8300  }
0x69: {  	p0 =	sne.s32 s11, s6;
	_ =	strace @!p1 $0x90000057  }
.Ltmp1:
0x6a: {  	_ =	strace $0x80000058;
	(pc) =	sbr.rel @p0 .LBB2_1-.Ltmp1, $4  }
0x6b: {  	_ =	swait.ge [sflag:s10], $0x7D00  }
0x6c: {  	[sflag:s10] =	ssyncset.done $0x0  }
0x6d: {  	[sflag:s10] =	ssyncadd.s32 $0xFFFF8300  }
0x6e: {  	_ =	strace $0x90000058  }
0x6f: {  	_ =	sfence.sel $0x180000  }
0x70: {  	[bflag:$0x0] =	sbarrier.arrive $0xFFFF  }
0x71: {  	_ =	strace $0x90000051  }
0x72: {  	s0 =	stileid.u32;
	[bflag:$0x2] =	sbarrier.arrive $0xFFFF  }
0x73: {  	p0 =	sne.s32 s0, $0x0;
	s0 =	rddreg [dreg:$0x1]  }
0x74: {  	s0 =	sadd.s32 @!p0 $0x100000, s0  }
0x75: {  	[sflag:s0] =	ssyncadd.tile.s32 @!p0 $0x1;
	_ =	shalt  }
.Lfunc_end2:
_tile_overlayer_lowered:
.L_overlay_start_2:
0x76: {  	(tag) =	ssettag $0x2  }
0x77: {  	s0 =	rddreg [dreg:$0x0];
	s2 =	stileid.u32  }
0x78: {  	s1 =	rddreg [dreg:$0x1];
	p0 =	sne.s32 s2, $0x0  }
0x79: {  	s3 =	rddreg [dreg:$0x2];
	[bflag:$0x3] =	sbarrier.arrive $0xFFFF;
	s2 =	simm.s32 @!p0 $0x1C01  }
0x7a: {  	[timem:s3], [sflag:s2] =	dma.local @!p0 [hbm:s0], s1  }
0x7b: {  	s0 =	simm.s32 @!p0 $0x1  }
0x7c: {  	_ =	swait.ge @!p0 [sflag:s0], s1  }
0x7d: {  	s1 =	ssub.s32 @!p0 $0x0, s1;
	[sflag:s0] =	ssyncset.done @!p0 $0x0  }
0x7e: {  	[sflag:s0] =	ssyncadd.s32 @!p0 s1  }
0x7f: {  	[bflag:$0x3] =	sbarrier.arrive $0xFFFF  }
0x80: {  	_ =	shalt  }

// kernel: kernel.7.cloned.1.call-start
scs
__scs_entry_jumppad:
0x0: {  	(pc) =	sbr.rel $0x88, $3  }
0x1: {  	(tag) =	ssettag $0x0;
	lr =	simm.s32 $0x1  }
0x2: {  	[smem:$0x3F9D] =	sst lr;
	_ =	strace $0xD0000000  }
0x3: {  	_ = 	snop  }
0x4: {  	_ = 	snop  }
0x5: {  	_ = 	snop  }
0x6: {  	_ = 	snop  }
0x7: {  	_ = 	snop  }
__scs_overlays_trampoline_lowered:
0x8: {  	[smem:$0x3FAC] =	sst s0  }
0x9: {  	[smem:$0x3FAD] =	sst s1  }
0xa: {  	[smem:$0x3FAE] =	sst s2  }
0xb: {  	[smem:$0x3FAF] =	sst s3  }
0xc: {  	[smem:$0x3FB0] =	sst s4  }
0xd: {  	[smem:$0x3FB1] =	sst s5  }
0xe: {  	[smem:$0x3FB2] =	sst s6  }
0xf: {  	[smem:$0x3FB3] =	sst s7  }
0x10: {  	[smem:$0x3FB4] =	sst s8  }
0x11: {  	[smem:$0x3FB5] =	sst s9;
	s0 =	simm.s32 @!p0 $0x0  }
0x12: {  	s1 =	sld [smem:$0x3F9B];
	s0 =	simm.s32 @p0 $0x1  }
0x13: {  	[smem:$0x3FB6] =	sst s0;
	s0 =	simm.s32 @!p1 $0x0  }
0x14: {  	s2 =	sld [smem:$0x3F9A];
	s0 =	simm.s32 @p1 $0x1  }
0x15: {  	[smem:$0x3FB7] =	sst s0;
	s0 =	simm.s32 @!p2 $0x0  }
0x16: {  	s3 =	sld [smem:$0x3FDB];
	s0 =	simm.s32 @p2 $0x1  }
0x17: {  	s4 =	simm.s32 $0x1BF5;
	[smem:$0x3FB9] =	sst s0  }
0x18: {  	s0 =	sld [smem:$0x3F9C];
	_ =	swait.ge [sflag:s4], $0x0  }
0x19: {  	s7 =	sld [smem:$0x3F9D]  }
0x1a: {  	s8 =	sadd.s32 $0xFFFFE003, lr  }
0x1b: {  	s9 =	sadd.s32 $0xFFFFFEF7, lr;
	s5 =	simm.s32 $0xFFFFFFFF;
	p2 =	slt.u32 s8, $0xFFFFF086  }
0x1c: {  	p1 =	slt.u32 s9, $0xF7A;
	s5 =	simm.s32 @!p2 $0x0  }
0x1d: {  	s5 =	simm.s32 @p1 $0x1;
	p0 =	seq.s32 s7, s2  }
0x1e: {  	s7 =	smul.u32 @!p0 $0xF7A, s2;
	p2 =	seq.s32 @!p0 s5, $0x0  }
0x1f: {  	s9 =	smul.u32 $0xF7A, s1;
	s8 =	simm.s32 @!p0 $0x1BF5;
	p2 =	por !p2, p0  }
0x20: {  	[sflag:s8] =	ssyncset.s32 @!p0 $0xFFFFF086;
	s6 =	sadd.s32 @!p0 s3, s7;
	s7 =	simm.s32 @!p0 $0x108  }
0x21: {  	s3 =	sadd.s32 s3, s9;
	s6 =	sadd.s32 @!p0 $0x88, s6;
	s7 =	simm.s32 @p2 $0x1082  }
0x22: {  	[simem:s7], [sflag:s8] =	dma.local @!p0 [hbm:s6], $0xF7A  }
0x23: {  	s9 =	sor.u32 $0xD0000000, s2;
	s6 =	simm.s32 $0x108;
	_ =	swait.ge @!p0 [sflag:s8], $0x0  }
0x24: {  	s3 =	sadd.s32 $0x88, s3;
	s6 =	simm.s32 @!p1 $0x1082;
	[sflag:s4] =	ssyncset.s32 $0xFFFFF086  }
0x25: {  	[simem:s6], [sflag:s4] =	dma.local [hbm:s3], $0xF7A  }
0x26: {  	[smem:$0x3F9D] =	sst s1;
	(tag) =	ssettag s2;
	_ =	strace s9  }
0x27: {  	s1 =	sld [smem:$0x3FAD]  }
0x28: {  	s2 =	sld [smem:$0x3FAE]  }
0x29: {  	s4 =	sld [smem:$0x3FB0]  }
0x2a: {  	p0 =	seq.s32 s5, $0x0;
	s5 =	sld [smem:$0x3FB1]  }
0x2b: {  	s6 =	sld [smem:$0x3FB2]  }
0x2c: {  	s7 =	sld [smem:$0x3FB3]  }
0x2d: {  	s3 =	simm.s32 $0x108;
	s8 =	sld [smem:$0x3FB4]  }
0x2e: {  	s3 =	simm.s32 @!p0 $0x1082;
	s9 =	sld [smem:$0x3FB5]  }
0x2f: {  	lr =	sadd.s32 s0, s3;
	s0 =	sld [smem:$0x3FAC]  }
0x30: {  	s3 =	sld [smem:$0x3FAF]  }
0x31: {  	[smem:$0x3FB8] =	sst s10  }
0x32: {  	s10 =	sld [smem:$0x3FB6];
	_ =	sdelay $0x3  }
0x33: {  	p0 =	seq.s32 s10, $0x1;
	s10 =	sld [smem:$0x3FB8];
	_ =	sdelay $0x3  }
0x34: {  	[smem:$0x3FB8] =	sst s10  }
0x35: {  	s10 =	sld [smem:$0x3FB7];
	_ =	sdelay $0x3  }
0x36: {  	p1 =	seq.s32 s10, $0x1;
	s10 =	sld [smem:$0x3FB8];
	_ =	sdelay $0x3  }
0x37: {  	[smem:$0x3FB8] =	sst s10  }
0x38: {  	s10 =	sld [smem:$0x3FB9]  }
0x39: {  	_ = 	snop;
	(pc) =	sbr.ind lr, $3  }
0x3a: {  	_ = 	snop  }
0x3b: {  	_ = 	snop  }
0x3c: {  	p2 =	seq.s32 s10, $0x1;
	s10 =	sld [smem:$0x3FB8]  }
0x3d: {  	_ =	shalt  }
0x3e: {  	_ =	shalt  }
0x3f: {  	_ =	shalt  }
0x40: {  	_ =	shalt  }
0x41: {  	_ =	shalt  }
0x42: {  	_ =	shalt  }
0x43: {  	_ =	shalt  }
0x44: {  	_ =	shalt  }
0x45: {  	_ =	shalt  }
0x46: {  	_ =	shalt  }
0x47: {  	_ =	shalt  }
0x48: {  	_ =	shalt  }
0x49: {  	_ =	shalt  }
0x4a: {  	_ =	shalt  }
0x4b: {  	_ =	shalt  }
0x4c: {  	_ =	shalt  }
0x4d: {  	_ =	shalt  }
0x4e: {  	_ =	shalt  }
0x4f: {  	_ =	shalt  }
0x50: {  	_ =	shalt  }
0x51: {  	_ =	shalt  }
0x52: {  	_ =	shalt  }
0x53: {  	_ =	shalt  }
0x54: {  	_ =	shalt  }
0x55: {  	_ =	shalt  }
0x56: {  	_ =	shalt  }
0x57: {  	_ =	shalt  }
0x58: {  	_ =	shalt  }
0x59: {  	_ =	shalt  }
0x5a: {  	_ =	shalt  }
0x5b: {  	_ =	shalt  }
0x5c: {  	_ =	shalt  }
0x5d: {  	_ =	shalt  }
0x5e: {  	_ =	shalt  }
0x5f: {  	_ =	shalt  }
0x60: {  	_ =	shalt  }
0x61: {  	_ =	shalt  }
0x62: {  	_ =	shalt  }
0x63: {  	_ =	shalt  }
0x64: {  	_ =	shalt  }
0x65: {  	_ =	shalt  }
0x66: {  	_ =	shalt  }
0x67: {  	_ =	shalt  }
0x68: {  	_ =	shalt  }
0x69: {  	_ =	shalt  }
0x6a: {  	_ =	shalt  }
0x6b: {  	_ =	shalt  }
0x6c: {  	_ =	shalt  }
0x6d: {  	_ =	shalt  }
0x6e: {  	_ =	shalt  }
0x6f: {  	_ =	shalt  }
0x70: {  	_ =	shalt  }
0x71: {  	_ =	shalt  }
0x72: {  	_ =	shalt  }
0x73: {  	_ =	shalt  }
0x74: {  	_ =	shalt  }
0x75: {  	_ =	shalt  }
0x76: {  	_ =	shalt  }
0x77: {  	_ =	shalt  }
0x78: {  	_ =	shalt  }
0x79: {  	_ =	shalt  }
0x7a: {  	_ =	shalt  }
0x7b: {  	_ =	shalt  }
0x7c: {  	_ =	shalt  }
0x7d: {  	_ =	shalt  }
0x7e: {  	_ =	shalt  }
0x7f: {  	_ =	shalt  }
0x80: {  	_ =	shalt  }
0x81: {  	_ =	shalt  }
0x82: {  	_ =	shalt  }
0x83: {  	_ =	shalt  }
0x84: {  	_ =	shalt  }
0x85: {  	_ =	shalt  }
0x86: {  	_ =	shalt  }
0x87: {  	_ =	shalt  }
.Lfunc_end0:
.L_simem_size_0:
called_computation.2_lowered:
.L_overlay_start_0:
0x88: {  	s2 =	sld [smem:$0x3FD9]  }
0x89: {  	s3 =	sld [smem:$0x3FFE];
	_ =	sdelay $0x1  }
0x8a: {  	s1 =	srdreg.scid  }
0x8b: {  	s0 =	sand.u32 $0x1, s1  }
0x8c: {  	s17 =	sshll.u32 s0, $0xA;
	s2 =	sadd.s32 s3, s2  }
0x8d: {  	s2 =	sadd.s32 s2, s17  }
0x8e: {  	[smem:$0x3FC4] =	sst s2  }
0x8f: {  	_ = 	snop  }
0x90: {  	s2 =	sld [smem:$0x3FC9]  }
0x91: {  	s18 =	sld [smem:$0x3FD0];
	(tm) =	ssettm $0x1  }
0x92: {  	s4 =	sld [smem:$0x3FFB];
	_ =	sdelay $0x3  }
0x93: {  	_ =	strace s4  }
0x94: {  	s4 =	sld [smem:$0x3FFC];
	_ =	sdelay $0x3  }
0x95: {  	_ =	strace s4  }
0x96: {  	s4 =	sld [smem:$0x3FFD];
	_ =	sdelay $0x3  }
0x97: {  	_ =	strace s4  }
0x98: {  	_ =	strace $0x8FFFFFFF  }
0x99: {  	s19 =	sld [smem:$0x3FDB];
	_ =	sdelay $0x1  }
0x9a: {  	s5 =	simm.s32 $_scs_section_size  }
0x9b: {  	s6 =	simm.s32 $_size__tile_overlayer_lowered;
	s7 =	simm.s32 $_tile_overlayer_lowered  }
0x9c: {  	s22 =	simm.s32 $0x1BFF;
	s21 =	sshll.u32 s7, $0x1;
	s4 =	sadd.s32 s5, s19  }
0x9d: {  	s8 =	simm.s32 $0x0;
	s20 =	sshll.u32 s6, $0x1;
	s6 =	sadd.s32 s21, s4  }
0x9e: {  	[timem:s8], [sflag:s22] =	dma.local [hbm:s6], s20  }
0x9f: {  	_ =	swait.ge [sflag:s22], s20  }
0xa0: {  	s5 =	ssub.s32 $0x0, s20;
	[sflag:s22] =	ssyncset.done $0x0  }
0xa1: {  	[sflag:s22] =	ssyncadd.s32 s5;
	_ =	sdelay $0x1  }
0xa2: {  	s23 =	simm.s32 $0x1B8B  }
0xa3: {  	_ =	swait.ge [sflag:s23], $0x1  }
0xa4: {  	[sflag:s23] =	ssyncset.done $0x0  }
0xa5: {  	s25 =	simm.s32 $0x1B8E;
	s24 =	sld [smem:$0x3FFE];
	[sflag:s23] =	ssyncadd.s32 $0xFFFFFFFF  }
0xa6: {  	s26 =	simm.s32 $execute0_lowered;
	[smem:$0x3FD2] =	sst s25  }
0xa7: {  	s6 =	sshll.u32 s26, $0x1;
	_ =	strace $0x80000046;
	[dreg:$0x1] =	wrdreg $0xFFFFFFFF  }
0xa8: {  	s28 =	simm.s32 $_size_execute0_lowered;
	s4 =	sadd.s32 s4, s6;
	[dreg:$0x0] =	wrdreg $0x0  }
0xa9: {  	s6 =	sshll.u32 s28, $0x1;
	[dreg:$0x2] =	wrdreg s4  }
0xaa: {  	[dreg:$0x3] =	wrdreg s6  }
0xab: {  	[dreg:$0x4] =	wrdreg $0xC0  }
0xac: {  	_ =	task [dreg:s8], $0x5FFFF  }
0xad: {  	[dreg:$0x1] =	wrdreg $0xFFFFFFFF  }
0xae: {  	[dreg:$0x0] =	wrdreg $0x60  }
0xaf: {  	[dreg:$0x2] =	wrdreg s18  }
0xb0: {  	[dreg:$0x3] =	wrdreg s2  }
0xb1: {  	[dreg:$0x4] =	wrdreg s24  }
0xb2: {  	[dreg:$0x5] =	wrdreg $0xA  }
0xb3: {  	_ =	task.clear_ibuf [dreg:s8], $0x6FFFF;
	_ =	strace $0x90000046  }
0xb4: {  	s29 =	simm.s32 $0xA;
	_ =	strace $0x8000004F  }
0xb5: {  	_ =	swait.ge [sflag:s29], $0x1  }
0xb6: {  	[sflag:s29] =	ssyncadd.s32 $0xFFFFFFFF  }
0xb7: {  	_ =	strace $0x9000004F  }
0xb8: {  	_ =	sfence  }
0xb9: {  	s30 =	sld [smem:$0x0];
	_ =	sdelay $0x2  }
0xba: {  	s31 =	sshll.u32 s1, $0xD;
	s1 =	sshrl.u32 s1, $0x2  }
0xbb: {  	s3 =	sand.u32 $0x4000, s31;
	s1 =	sadd.s32 s1, s30  }
0xbc: {  	s0 =	sor.u32 s3, s0;
	s1 =	sshll.u32 s1, $0x11  }
0xbd: {  	s0 =	sor.u32 s1, s0  }
0xbe: {  	s0 =	sadd.s32 $0x8F2B, s0  }
0xbf: {  	[sflag:s0] =	ssyncadd.remote.s32 $0x1  }
0xc0: {  	_ =	sfence.sel $0xFFFF  }
0xc1: {  	[dreg:$0x0] =	wrdreg $0xFFFFFFFF;
	(pc) =	sbr.abs _section_cstart, $3  }
0xc2: {  	[dreg:$0x1] =	wrdreg $0xFFFFFFFF  }
0xc3: {  	_ =	task.clear_ibuf [dreg:s8], $0x2FFFF;
	_ =	strace $0x9FFFFFFF  }
0xc4: {  	(tm) =	ssettm $0x7FFFFFFF  }
0xc5: {  	_ =	shalt  }
tec
execute0_lowered:
.L_overlay_start_1:
0x0: {  	(tag) =	ssettag $0x1  }
0x1: {  	s0 =	rddreg [dreg:$0x0];
	s1 =	srdreg.scid  }
0x2: {  	s2 =	rddreg [dreg:$0x1];
	s5 =	sand.u32 $0x1, s1  }
0x3: {  	s29 =	stileid.u32;
	s6 =	rddreg [dreg:$0x2];
	s1 =	sshll.u32 s5, $0x4  }
0x4: {  	s3 =	simm.s32 $0x0;
	s10 =	simm.s32 $0x3E8;
	s4 =	sor.u32 s29, s1  }
0x5: {  	s11 =	simm.s32 $0x5;
	[dreg:$0x4] =	wrdreg s0;
	s7 =	smul.u32 $0x3, s4  }
0x6: {  	s12 =	simm.s32 $0x0;
	[smem:$0x7FF] =	sst s3;
	s6 =	sadd.s32 $0x1000, s6  }
0x7: {  	p0 =	slt.u32 s4, $0x4;
	s8 =	sshll.u32 s4, $0x2;
	s4 =	sadd.s32 $0x4, s7  }
0x8: {  	_ =	strace $0x80000047;
	s30 =	ssub.s32 $0x2, s5;
	s4 =	smov.u32 @p0 s8  }
0x9: {  	s5 =	simm.s32 $0x4;
	s31 =	sshrl.u32 s30, $0x1;
	s8 =	smul.u32 $0x7D, s4  }
0xa: {  	[dreg:$0x5] =	wrdreg s6;
	s9 =	ssub.s32 s30, s31;
	s5 =	simm.s32 @!p0 $0x3  }
0xb: {  	s7 =	sadd.s32 $0xFFFFFFFF, s5;
	s6 =	sadd.s32 s2, s8;
	s8 =	smax.u32 s9, $0x1  }
.LBB2_1:
0xc: {  	_ =	strace $0x80000048  }
0xd: {  	p0 =	seq.s32 s5, $0x1;
	s14 =	simm.s32 $0x1;
	p1 =	sne.s32 s5, $0x1  }
0xe: {  	[tilespmem:s3], [sflag:$0x1] =	stream.linear.gather [hbm4b:s6+s3], $0x3E8, $0x200038;
	[tilespmem:$0x101D0] =	vst v63  }
.Ltmp0:
0xf: {  	p6 =	sgt.s32 s7, $0x0;
	s14 =	simm.s32 @p0 $0x0;
	(pc) =	sbr.rel @!p1 .LBB2_2-.Ltmp0, $4  }
0x10: {  	s13 =	simm.s32 $0x1;
	s15 =	simm.s32 $0x1;
	p3 =	sne.s32 s14, $0x0  }
0x11: {  	s0 =	simm.s32 $0x1;
	_ =	strace $0x90000048;
	p0 =	por !p6, !p3  }
0x12: {  	p6 =	por $0x0, $0x0;
	p4 =	por !p0, !p0;
	p0 =	por $0x1, $0x1  }
0x13: {  	s25 =	sadd.s32 @p4 s4, s14;
	s15 =	simm.s32 @!p4 $0x0;
	s23 =	sand.u32 @p4 $0x1, s0  }
0x14: {  	s16 =	smul.u32 @p4 $0x3E8, s25  }
0x15: {  	s17 =	smul.u32 @p4 $0xFA0, s23;
	s18 =	sadd.s32 @p4 $0x1, s23;
	s19 =	simm.s32 @p4 $0x0  }
0x16: {  	_ =	strace @p4 $0x80000049;
	s22 =	sand.u32 $0x1, s3;
	p1 =	por p3, p3  }
0x17: {  	p5 =	sne.s32 s5, $0x2;
	p2 =	por p0, p0;
	s23 =	simm.s32 $0x3E8  }
0x18: {  	p6 =	seq.s32 s7, $0x0;
	s29 =	simm.s32 $0x1;
	s25 =	sadd.s32 $0x1, s22  }
0x19: {  	p3 =	seq.s32 s22, $0x1;
	s26 =	smul.u32 $0x1F400, s22;
	s16 =	sshrl.u32 @p4 s16, $0x3  }
0x1a: {  	p1 =	por p6, p1;
	s17 =	sshrl.u32 @p4 s17, $0x2;
	s16 =	sadd.s32 @p4 s2, s16  }
0x1b: {  	[tilespmem:s17], [sflag:s18] =	stream.linear.gather @p4 [hbm4b:s16+s19], $0x3E8, $0x200038;
	[tilespmem:$0x101D0] =	vst v63  }
0x1c: {  	s23 =	simm.s32 @!p3 $0x0;
	s28 =	simm.s32 @p1 $0x20;
	_ =	strace @p4 $0x90000049  }
0x1d: {  	s19 =	sand.u32 @!p0 $0x1, s3;
	s16 =	sadd.s32 $0x1, s15;
	_ =	strace $0x8000004A  }
0x1e: {  	s17 =	simm.s32 $0x2;
	s18 =	sadd.s32 $0x0, s4;
	_ =	swait.ge [sflag:s25], $0x3E8  }
0x1f: {  	s15 =	sshrl.u32 s26, $0x2;
	p0 =	por $0x0, $0x0;
	[sflag:s25] =	ssyncset.done $0x0  }
0x20: {  	s20 =	sadd.s32 @!p2 $0x3, s19;
	s19 =	sadd.s32 $0x1, s14;
	[sflag:s25] =	ssyncadd.s32 $0xFFFFFC18  }
0x21: {  	s24 =	sadd.s32 $0x7D0, s15;
	s15 =	simm.s32 $0x1;
	_ =	strace $0x9000004A  }
0x22: {  	s31 =	smul.u32 @p1 $0x1F400, s18;
	s18 =	simm.s32 $0x0;
	_ =	strace $0x8000004B  }
0x23: {  	s15 =	simm.s32 @!p0 $0x0;
	p4 =	seq.s32 s19, s5;
	s21 =	rddreg [dreg:$0x4]  }
0x24: {  	[tilespmem:s24], [sflag:$0x5] =	stream.indirect.gather [hbm4b:s21+s10], $0x20, s23, s10, $0x2000b8;
	[tilespmem:$0x101D0] =	vst v63  }
0x25: {  	s19 =	simm.s32 @p4 $0x0;
	p4 =	sgt.s32 s7, $0x1;
	_ =	swait.ge [sflag:s11], $0x7D00  }
.Ltmp1:
0x26: {  	p3 =	sne.s32 s14, s19;
	[sflag:s11] =	ssyncset.done $0x0;
	(pc) =	sbr.rel @!p5 .LBB2_4-.Ltmp1, $4  }
0x27: {  	p0 =	por $0x0, $0x0;
	p4 =	por !p4, !p3;
	[sflag:s11] =	ssyncadd.s32 $0xFFFF8300  }
0x28: {  	s15 =	sadd.s32 $0x0, s15;
	p4 =	por !p4, !p4;
	_ =	strace $0x9000004B  }
0x29: {  	s25 =	sadd.s32 @p4 s4, s19;
	s29 =	simm.s32 @!p4 $0x0;
	_ =	strace @p1 $0x8000004C  }
0x2a: {  	s23 =	sand.u32 @p4 $0x1, s16;
	s21 =	simm.s32 $0x0;
	s30 =	rddreg [dreg:$0x5]  }
.LBB2_5:
0x2b: {  	s1 =	smul.u32 @p4 $0x3E8, s25;
	s26 =	sand.u32 @!p0 $0x1, s15;
	s22 =	sadd.s32 @p1 $0x3, s22  }
0x2c: {  	s25 =	smov.u32 s13;
	s13 =	smov.u32 s17;
	s0 =	smov.u32 s14  }
0x2d: {  	p5 =	por p3, p3;
	s14 =	smul.u32 @p4 $0xFA0, s23;
	s9 =	simm.s32 @p1 $0x80  }
0x2e: {  	s16 =	sadd.s32 s29, s16;
	s17 =	sadd.s32 $0x1, s17;
	s31 =	sshrl.u32 @p1 s31, $0x3  }
0x2f: {  	s29 =	simm.s32 $0x1;
	p6 =	sne.s32 s5, s17;
	s30 =	sadd.s32 @p1 s30, s31  }
0x30: {  	[hbm4b:s30+s28] =	stream.strided.scatter @p1 [tilespmem:s24], [sflag:s22], $0x7D00, s9, s28, $0x200038;
	[tilespmem:$0x101D0] =	vst v63  }
0x31: {  	s0 =	sadd.s32 s4, s0;
	p3 =	sne.s32 s25, $0x0;
	_ =	strace @p1 $0x9000004C  }
0x32: {  	s1 =	sshrl.u32 @p4 s1, $0x3;
	s31 =	simm.s32 $0x1;
	_ =	strace @!p2 $0x8000004D  }
0x33: {  	s31 =	simm.s32 @!p1 $0x0;
	s22 =	sshrl.u32 @p4 s14, $0x2;
	_ =	swait.ge @!p2 [sflag:s20], $0x7D00  }
0x34: {  	s1 =	sadd.s32 @p4 s2, s1;
	s14 =	smov.u32 s19;
	[sflag:s20] =	ssyncset.done @!p2 $0x0  }
0x35: {  	s19 =	sadd.s32 $0x1, s19;
	s21 =	sadd.s32 s31, s21;
	[sflag:s20] =	ssyncadd.s32 @!p2 $0xFFFF8300  }
0x36: {  	s18 =	sadd.s32 s31, s18;
	s24 =	sand.u32 $0x1, s21;
	_ =	strace @!p2 $0x9000004D  }
0x37: {  	s20 =	sadd.s32 @p4 $0x1, s23;
	s23 =	simm.s32 @p4 $0x0;
	_ =	strace @p4 $0x80000049  }
0x38: {  	[tilespmem:s22], [sflag:s20] =	stream.linear.gather @p4 [hbm4b:s1+s23], $0x3E8, $0x200038;
	[tilespmem:$0x101D0] =	vst v63  }
0x39: {  	p1 =	seq.s32 s24, $0x1;
	s22 =	sand.u32 $0x1, s18;
	_ =	strace @p4 $0x90000049  }
0x3a: {  	s23 =	sadd.s32 $0x1, s24;
	s24 =	smul.u32 $0x1F400, s22;
	_ =	strace $0x8000004A  }
0x3b: {  	p2 =	por p0, p0;
	p0 =	seq.s32 s13, $0x0;
	_ =	swait.ge [sflag:s23], $0x3E8  }
0x3c: {  	s20 =	sadd.s32 @!p2 $0x3, s26;
	s1 =	sshrl.u32 s24, $0x2;
	[sflag:s23] =	ssyncset.done $0x0  }
0x3d: {  	s24 =	sadd.s32 $0x7D0, s1;
	s1 =	simm.s32 $0x1;
	[sflag:s23] =	ssyncadd.s32 $0xFFFFFC18  }
0x3e: {  	p4 =	slt.s32 s13, s7;
	s1 =	simm.s32 @!p3 $0x0;
	_ =	strace $0x9000004A  }
0x3f: {  	p3 =	seq.s32 s19, s5;
	s23 =	simm.s32 $0x3E8;
	_ =	strace $0x8000004B  }
0x40: {  	s23 =	simm.s32 @!p1 $0x0;
	s15 =	sadd.s32 s1, s15;
	s9 =	rddreg [dreg:$0x4]  }
0x41: {  	[tilespmem:s24], [sflag:$0x5] =	stream.indirect.gather [hbm4b:s9+s10], $0x20, s23, s10, $0x2000b8;
	[tilespmem:$0x101D0] =	vst v63  }
0x42: {  	s19 =	simm.s32 @p3 $0x0;
	p1 =	seq.s32 s7, s25;
	_ =	swait.ge [sflag:s11], $0x7D00  }
.Ltmp2:
0x43: {  	p3 =	sne.s32 s14, s19;
	[sflag:s11] =	ssyncset.done $0x0;
	(pc) =	sbr.rel @p6 .LBB2_5-.Ltmp2, $4  }
0x44: {  	p1 =	por p1, p5;
	p4 =	por !p4, !p3;
	[sflag:s11] =	ssyncadd.s32 $0xFFFF8300  }
0x45: {  	s28 =	simm.s32 @p1 $0x20;
	p4 =	por !p4, !p4;
	_ =	strace $0x9000004B  }
0x46: {  	s31 =	smul.u32 @p1 $0x1F400, s0;
	s25 =	sadd.s32 @p4 s4, s19;
	_ =	strace @p1 $0x8000004C  }
0x47: {  	s29 =	simm.s32 @!p4 $0x0;
	s23 =	sand.u32 @p4 $0x1, s16;
	s30 =	rddreg [dreg:$0x5]  }
0x48: {  	p6 =	por $0x1, $0x1  }
.LBB2_7:
0x49: {  	p5 =	por !p1, !p6  }
0x4a: {  	s0 =	sshrl.u32 @!p5 s31, $0x3  }
0x4b: {  	s1 =	sadd.s32 @!p5 $0x3, s22;
	s9 =	simm.s32 @!p5 $0x80;
	s0 =	sadd.s32 @!p5 s30, s0  }
0x4c: {  	[hbm4b:s0+s28] =	stream.strided.scatter @!p5 [tilespmem:s24], [sflag:s1], $0x7D00, s9, s28, $0x200038;
	[tilespmem:$0x101D0] =	vst v63  }
0x4d: {  	p1 =	por p2, !p6;
	_ =	strace @!p5 $0x9000004C  }
0x4e: {  	s17 =	simm.s32 $0x0;
	s19 =	simm.s32 @p4 $0x0;
	_ =	strace @!p1 $0x8000004D  }
0x4f: {  	s0 =	smul.u32 @p4 $0x3E8, s25;
	s1 =	simm.s32 $0x1;
	_ =	swait.ge @!p1 [sflag:s20], $0x7D00  }
0x50: {  	s9 =	smul.u32 @p4 $0xFA0, s23;
	s1 =	simm.s32 @p5 $0x0;
	[sflag:s20] =	ssyncset.done @!p1 $0x0  }
0x51: {  	s16 =	sadd.s32 @p6 s1, s21;
	s0 =	sshrl.u32 @p4 s0, $0x3;
	[sflag:s20] =	ssyncadd.s32 @!p1 $0xFFFF8300  }
0x52: {  	s9 =	sshrl.u32 @p4 s9, $0x2;
	s17 =	smov.u32 @p6 s16;
	_ =	strace @!p1 $0x9000004D  }
0x53: {  	s0 =	sadd.s32 @p4 s2, s0;
	s16 =	sadd.s32 @p4 $0x1, s23;
	_ =	strace @p4 $0x80000049  }
0x54: {  	[tilespmem:s9], [sflag:s16] =	stream.linear.gather @p4 [hbm4b:s0+s19], $0x3E8, $0x200038;
	[tilespmem:$0x101D0] =	vst v63  }
0x55: {  	s1 =	sadd.s32 @p6 s1, s18;
	s25 =	sand.u32 $0x1, s17;
	_ =	strace @p4 $0x90000049  }
0x56: {  	s26 =	sadd.s32 $0x1, s25;
	s16 =	simm.s32 $0x0;
	_ =	strace $0x8000004A  }
0x57: {  	s16 =	smov.u32 @p6 s1;
	_ =	swait.ge [sflag:s26], $0x3E8  }
0x58: {  	s1 =	sand.u32 $0x1, s16;
	[sflag:s26] =	ssyncset.done $0x0  }
0x59: {  	s28 =	smul.u32 $0x1F400, s1;
	[sflag:s26] =	ssyncadd.s32 $0xFFFFFC18  }
0x5a: {  	p1 =	seq.s32 s25, $0x1;
	_ =	strace $0x9000004A  }
0x5b: {  	s9 =	simm.s32 $0x3E8;
	s30 =	sshrl.u32 s28, $0x2;
	_ =	strace $0x8000004B  }
0x5c: {  	s9 =	simm.s32 @!p1 $0x0;
	s0 =	sadd.s32 $0x7D0, s30;
	s29 =	rddreg [dreg:$0x4]  }
0x5d: {  	[tilespmem:s0], [sflag:$0x5] =	stream.indirect.gather [hbm4b:s29+s10], $0x20, s9, s10, $0x2000b8;
	[tilespmem:$0x101D0] =	vst v63  }
0x5e: {  	_ =	swait.ge [sflag:s11], $0x7D00  }
0x5f: {  	p5 =	por p3, p3;
	p6 =	seq.s32 s7, s13;
	[sflag:s11] =	ssyncset.done $0x0  }
0x60: {  	p1 =	por p6, p5;
	s9 =	sadd.s32 s4, s14;
	[sflag:s11] =	ssyncadd.s32 $0xFFFF8300  }
0x61: {  	s9 =	smul.u32 @p1 $0x1F400, s9;
	_ =	strace $0x9000004B  }
0x62: {  	_ =	strace @p1 $0x8000004C  }
0x63: {  	s16 =	simm.s32 @p1 $0x20;
	s9 =	sshrl.u32 @p1 s9, $0x3;
	s14 =	rddreg [dreg:$0x5]  }
0x64: {  	s1 =	sadd.s32 @p1 $0x3, s1;
	s17 =	simm.s32 @p1 $0x80;
	s9 =	sadd.s32 @p1 s14, s9  }
0x65: {  	[hbm4b:s9+s16] =	stream.strided.scatter @p1 [tilespmem:s0], [sflag:s1], $0x7D00, s17, s16, $0x200038;
	[tilespmem:$0x101D0] =	vst v63  }
0x66: {  	s0 =	sand.u32 @!p0 $0x1, s15;
	p0 =	por p0, p0;
	_ =	strace @p1 $0x9000004C  }
0x67: {  	s0 =	sadd.s32 @!p0 $0x3, s0;
	_ =	strace @!p0 $0x8000004D  }
0x68: {  	s1 =	simm.s32 $0x1;
	p1 =	sne.s32 s13, $0x0;
	_ =	swait.ge @!p0 [sflag:s0], $0x7D00  }
0x69: {  	s1 =	simm.s32 @!p1 $0x0;
	[sflag:s0] =	ssyncset.done @!p0 $0x0  }
0x6a: {  	s12 =	sadd.s32 $0x1, s12;
	s1 =	sadd.s32 s1, s15;
	[sflag:s0] =	ssyncadd.s32 @!p0 $0xFFFF8300  }
0x6b: {  	s31 =	sand.u32 $0x1, s1;
	_ =	strace @!p0 $0x9000004D;
	p0 =	sne.s32 s12, s8  }
.Ltmp3:
0x6c: {  	s0 =	sadd.s32 $0x3, s31;
	_ =	strace $0x8000004E;
	(pc) =	sbr.rel @p0 .LBB2_1-.Ltmp3, $4  }
.Ltmp4:
0x6d: {  	_ =	swait.ge [sflag:s0], $0x7D00;
	(pc) =	sbr.rel @!p0 .LBB2_8-.Ltmp4, $4  }
0x6e: {  	[sflag:s0] =	ssyncset.done $0x0  }
0x6f: {  	[sflag:s0] =	ssyncadd.s32 $0xFFFF8300  }
0x70: {  	_ =	strace $0x9000004E  }
0x71: {  	_ = 	snop  }
.LBB2_2:
.Ltmp5:
0x72: {  	(pc) =	sbr.rel .LBB2_7-.Ltmp5, $3  }
0x73: {  	_ =	sdelay $0x1  }
0x74: {  	s15 =	simm.s32 $0x0;
	s13 =	simm.s32 $0x0  }
0x75: {  	s14 =	simm.s32 $0x0;
	s18 =	simm.s32 $0x0;
	s21 =	simm.s32 $0x0  }
.LBB2_4:
.Ltmp6:
0x76: {  	(pc) =	sbr.rel .LBB2_7-.Ltmp6, $2  }
0x77: {  	_ =	sdelay $0x2  }
0x78: {  	s18 =	simm.s32 $0x0;
	s21 =	simm.s32 $0x0;
	p6 =	por $0x1, $0x1  }
.LBB2_8:
0x79: {  	_ =	sfence.sel $0x180000  }
0x7a: {  	[bflag:$0x0] =	sbarrier.arrive $0xFFFF  }
0x7b: {  	_ =	strace $0x90000047  }
0x7c: {  	s0 =	stileid.u32;
	[bflag:$0x2] =	sbarrier.arrive $0xFFFF  }
0x7d: {  	p0 =	sne.s32 s0, $0x0;
	s0 =	rddreg [dreg:$0x3]  }
0x7e: {  	s0 =	sadd.s32 @!p0 $0x100000, s0  }
0x7f: {  	[sflag:s0] =	ssyncadd.tile.s32 @!p0 $0x1;
	_ =	shalt  }
.Lfunc_end2:
_tile_overlayer_lowered:
.L_overlay_start_2:
0x80: {  	(tag) =	ssettag $0x2  }
0x81: {  	s0 =	rddreg [dreg:$0x0];
	s2 =	stileid.u32  }
0x82: {  	s1 =	rddreg [dreg:$0x1];
	p0 =	sne.s32 s2, $0x0  }
0x83: {  	s3 =	rddreg [dreg:$0x2];
	[bflag:$0x3] =	sbarrier.arrive $0xFFFF;
	s2 =	simm.s32 @!p0 $0x1C01  }
0x84: {  	[timem:s3], [sflag:s2] =	dma.local @!p0 [hbm:s0], s1  }
0x85: {  	s0 =	simm.s32 @!p0 $0x1  }
0x86: {  	_ =	swait.ge @!p0 [sflag:s0], s1  }
0x87: {  	s1 =	ssub.s32 @!p0 $0x0, s1;
	[sflag:s0] =	ssyncset.done @!p0 $0x0  }
0x88: {  	[sflag:s0] =	ssyncadd.s32 @!p0 s1  }
0x89: {  	[bflag:$0x3] =	sbarrier.arrive $0xFFFF  }
0x8a: {  	_ =	shalt  }

// kernel: sparse-core-data-format-call.cloned.1.call-start
scs
called_computation_lowered:
.L_overlay_start_0:
0x0: {  	s2 =	sld [smem:$0x3FD9]  }
0x1: {  	s3 =	sld [smem:$0x3FFE];
	_ =	sdelay $0x1  }
0x2: {  	s1 =	srdreg.scid  }
0x3: {  	s0 =	sand.u32 $0x1, s1  }
0x4: {  	s18 =	sshll.u32 s0, $0xA;
	s2 =	sadd.s32 s3, s2  }
0x5: {  	s2 =	sadd.s32 s2, s18  }
0x6: {  	[smem:$0x3FC4] =	sst s2  }
0x7: {  	_ = 	snop  }
0x8: {  	s2 =	sld [smem:$0x3FD0];
	(tm) =	ssettm $0x1  }
0x9: {  	s19 =	sld [smem:$0x3FFB];
	_ =	sdelay $0x3  }
0xa: {  	_ =	strace s19  }
0xb: {  	s3 =	sld [smem:$0x3FFC];
	_ =	sdelay $0x3  }
0xc: {  	_ =	strace s3  }
0xd: {  	s3 =	sld [smem:$0x3FFD];
	_ =	sdelay $0x3  }
0xe: {  	_ =	strace s3  }
0xf: {  	_ =	strace $0x8FFFFFFF  }
0x10: {  	s20 =	sld [smem:$0x3FDB];
	_ =	sdelay $0x1  }
0x11: {  	s4 =	simm.s32 $_scs_section_size  }
0x12: {  	s5 =	simm.s32 $_size__tile_overlayer_lowered;
	s6 =	simm.s32 $_tile_overlayer_lowered  }
0x13: {  	s23 =	simm.s32 $0x1BFF;
	s22 =	sshll.u32 s6, $0x1;
	s3 =	sadd.s32 s4, s20  }
0x14: {  	s7 =	simm.s32 $0x0;
	s21 =	sshll.u32 s5, $0x1;
	s5 =	sadd.s32 s22, s3  }
0x15: {  	[timem:s7], [sflag:s23] =	dma.local [hbm:s5], s21  }
0x16: {  	_ =	swait.ge [sflag:s23], s21  }
0x17: {  	s4 =	ssub.s32 $0x0, s21;
	[sflag:s23] =	ssyncset.done $0x0  }
0x18: {  	[sflag:s23] =	ssyncadd.s32 s4;
	_ =	sdelay $0x1  }
0x19: {  	s24 =	simm.s32 $0x1B8B  }
0x1a: {  	_ =	swait.ge [sflag:s24], $0x1  }
0x1b: {  	[sflag:s24] =	ssyncset.done $0x0  }
0x1c: {  	s26 =	simm.s32 $0x1B8E;
	s25 =	sld [smem:$0x3FFE];
	[sflag:s24] =	ssyncadd.s32 $0xFFFFFFFF  }
0x1d: {  	s27 =	simm.s32 $execute0_lowered;
	[smem:$0x3FD2] =	sst s26  }
0x1e: {  	s5 =	sshll.u32 s27, $0x1;
	_ =	strace $0x8000005A;
	[dreg:$0x1] =	wrdreg $0xFFFFFFFF  }
0x1f: {  	s28 =	simm.s32 $_size_execute0_lowered;
	s3 =	sadd.s32 s3, s5;
	[dreg:$0x0] =	wrdreg $0x0  }
0x20: {  	s5 =	sshll.u32 s28, $0x1;
	[dreg:$0x2] =	wrdreg s3  }
0x21: {  	[dreg:$0x3] =	wrdreg s5  }
0x22: {  	[dreg:$0x4] =	wrdreg $0xC0  }
0x23: {  	_ =	task [dreg:s7], $0x5FFFF  }
0x24: {  	[dreg:$0x1] =	wrdreg $0xFFFFFFFF  }
0x25: {  	[dreg:$0x0] =	wrdreg $0x60  }
0x26: {  	[dreg:$0x2] =	wrdreg s25  }
0x27: {  	[dreg:$0x3] =	wrdreg s2  }
0x28: {  	[dreg:$0x4] =	wrdreg $0x9  }
0x29: {  	_ =	task.clear_ibuf [dreg:s7], $0x5FFFF;
	_ =	strace $0x9000005A  }
0x2a: {  	s29 =	simm.s32 $0x9;
	_ =	strace $0x8000005C  }
0x2b: {  	_ =	swait.ge [sflag:s29], $0x1  }
0x2c: {  	[sflag:s29] =	ssyncadd.s32 $0xFFFFFFFF  }
0x2d: {  	_ =	strace $0x9000005C  }
0x2e: {  	_ =	sfence  }
0x2f: {  	s30 =	sld [smem:$0x0];
	_ =	sdelay $0x2  }
0x30: {  	s31 =	sshll.u32 s1, $0xD;
	s1 =	sshrl.u32 s1, $0x2  }
0x31: {  	s3 =	sand.u32 $0x4000, s31;
	s1 =	sadd.s32 s1, s30  }
0x32: {  	s0 =	sor.u32 s3, s0;
	s1 =	sshll.u32 s1, $0x11  }
0x33: {  	s0 =	sor.u32 s1, s0  }
0x34: {  	s0 =	sadd.s32 $0x8F2B, s0  }
0x35: {  	[sflag:s0] =	ssyncadd.remote.s32 $0x1  }
0x36: {  	_ =	sfence.sel $0xFFFF  }
0x37: {  	[dreg:$0x0] =	wrdreg $0xFFFFFFFF;
	(pc) =	sbr.abs _section_cstart, $3  }
0x38: {  	[dreg:$0x1] =	wrdreg $0xFFFFFFFF  }
0x39: {  	_ =	task.clear_ibuf [dreg:s7], $0x2FFFF;
	_ =	strace $0x9FFFFFFF  }
0x3a: {  	(tm) =	ssettm $0x7FFFFFFF  }
0x3b: {  	_ =	shalt  }
tec
execute0_lowered:
.L_overlay_start_1:
0x0: {  	(tag) =	ssettag $0x1  }
0x1: {  	s4 =	rddreg [dreg:$0x0]  }
0x2: {  	s0 =	srdreg.scid;
	s2 =	rddreg [dreg:$0x1]  }
0x3: {  	s1 =	stileid.u32;
	s5 =	simm.s32 $0x1;
	s0 =	sshll.u32 s0, $0x4  }
0x4: {  	s7 =	simm.s32 $0x2;
	s11 =	simm.s32 $0x0;
	s3 =	sand.u32 $0x10, s0  }
.Ltmp0:
0x5: {  	p0 =	por $0x0, $0x0;
	s3 =	sor.u32 s1, s3;
	(pc) =	sbr.rel .LBB1_1-.Ltmp0, $4  }
0x6: {  	s8 =	simm.s32 $0xCF8800;
	s10 =	simm.s32 $0x0;
	s3 =	sshll.u32 s3, $0x7  }
0x7: {  	s0 =	rddreg [dreg:$0x2];
	_ =	strace $0x8000005B;
	s6 =	ssub.s32 $0x19F080, s3  }
0x8: {  	s4 =	sadd.s32 $0x1D7C00, s4;
	[sflag:s5] =	ssyncpa.u1 $0x0;
	s6 =	sshrl.u32 s6, $0xC  }
0x9: {  	[sflag:s7] =	ssyncpa.u1 $0x0;
	s9 =	smov.u32 s3;
	s7 =	sadd.s32 $0x2, s6  }
.LBB1_5:
0xa: {  	s13 =	sadd.s32 $0x1000, s9  }
0xb: {  	p2 =	sgt.s32 s13, $0x19F09F  }
0xc: {  	s13 =	smov.u32 @p2 s3;
	p2 =	sne.s32 s10, s7  }
.Ltmp1:
0xd: {  	p1 =	slt.u32 s10, $0x2;
	(pc) =	sbr.rel @!p2 .LBB1_6-.Ltmp1, $4  }
0xe: {  	s12 =	simm.s32 @!p1 $0x2  }
0xf: {  	s14 =	sadd.s32 $0x1, s10;
	_ =	swait.ge @!p1 [sflag:s12], $0x1000  }
0x10: {  	s11 =	smov.u32 s9;
	p0 =	por !p0, !p0;
	[sflag:s12] =	ssyncset.done @!p1 $0x0  }
0x11: {  	s10 =	smov.u32 s14;
	s9 =	smov.u32 s13;
	[sflag:s12] =	ssyncadd.s32 @!p1 $0xFFFFF000  }
.LBB1_1:
0x12: {  	p1 =	sgt.u32 s10, s6  }
0x13: {  	s13 =	smov.u32 s9;
	p2 =	sgt.s32 @!p1 s9, $0x19F020  }
0x14: {  	s12 =	sand.u32 @!p1 $0x1FFFFFF, s9;
	s14 =	sshra.s32 @!p1 s9, $0x1F;
	p2 =	por !p2, p1  }
0x15: {  	s15 =	smulhi.u32 @!p1 $0x9DE739, s12;
	s14 =	sand.u32 @!p1 s14, s9;
	s13 =	simm.s32 @p2 $0x19F020  }
0x16: {  	s13 =	ssub.s32 @!p1 s13, s14  }
0x17: {  	s14 =	sshrl.u32 @!p1 s15, $0xC;
	s13 =	sadd.s32 @!p1 $0xFFE60FE0, s13  }
0x18: {  	s15 =	sxor.u32 @!p1 $0xFFFFFFFF, s10;
	s14 =	smul.u32 @!p1 $0x19F0A0, s14;
	s16 =	sshll.u32 @!p1 s13, $0x7  }
0x19: {  	s15 =	sshll.u32 @!p1 s15, $0xC;
	p2 =	sgt.s32 @!p1 s13, $0x7F;
	s13 =	ssub.s32 @!p1 $0x4000, s16  }
0x1a: {  	s12 =	ssub.s32 @!p1 s12, s14;
	p2 =	por !p2, p1;
	s14 =	sand.u32 @!p1 $0x1000, s15  }
0x1b: {  	s15 =	simm.s32 @!p1 $0x20;
	s13 =	sshrl.u32 @!p1 s13, $0x2;
	s12 =	sshll.u32 @!p1 s12, $0x4  }
0x1c: {  	s16 =	simm.s32 @!p1 $0x80;
	s13 =	simm.s32 @!p2 $0x0;
	s12 =	sadd.s32 @!p1 s4, s12  }
0x1d: {  	[tilespmem:s14], [sflag:$0x1] =	stream.strided.gather @!p1 [hbm4b:s12+s15], s13, s16, s15, $0x38;
	[tilespmem:$0x4040] =	vst v63  }
0x1e: {  	p1 =	seq.s32 s10, $0x0  }
0x1f: {  	p2 =	sge.u32 @!p1 s10, s7  }
0x20: {  	p1 =	por p1, p2  }
.Ltmp2:
0x21: {  	_ = 	snop;
	(pc) =	sbr.rel @p1 .LBB1_5-.Ltmp2, $1  }
0x22: {  	_ =	sdelay $0x3  }
0x23: {  	p1 =	sgt.s32 s11, $0x19F020;
	s12 =	smov.u32 s11;
	s13 =	sshra.s32 s11, $0x1F  }
0x24: {  	s12 =	simm.s32 @!p1 $0x19F020;
	s13 =	sand.u32 s13, s11  }
0x25: {  	s12 =	ssub.s32 s12, s13  }
0x26: {  	s12 =	sadd.s32 $0xFFE60FE0, s12  }
0x27: {  	s28 =	sshll.u32 s12, $0x7  }
0x28: {  	s13 =	ssub.s32 $0x4000, s28  }
0x29: {  	p1 =	sgt.s32 s12, $0x7F;
	s12 =	sshrl.u32 s13, $0x2  }
0x2a: {  	s13 =	simm.s32 $0x1;
	s12 =	simm.s32 @p1 $0x0  }
0x2b: {  	s13 =	simm.s32 @!p0 $0x0;
	_ =	swait.ge [sflag:s5], s12  }
0x2c: {  	s14 =	sshll.u32 s13, $0xC;
	s12 =	ssub.s32 $0x0, s12;
	[sflag:s5] =	ssyncset.done $0x0  }
0x2d: {  	s16 =	sor.u32 $0x10, s14;
	[sflag:s5] =	ssyncadd.s32 s12  }
0x2e: {  	s29 =	smul.u32 $0x4080, s13;
	v1 =	vld [tilespmem:s16+$0x0]  }
0x2f: {  	s30 =	sand.u32 $0x1, s10;
	v0 =	vld [tilespmem:s16+$0xFFFFFFF0]  }
0x30: {  	s13 =	smul.u32 $0x4080, s30;
	s12 =	sshrl.u32 s29, $0x2  }
0x31: {  	s14 =	sor.u32 $0x2000, s12  }
0x32: {  	s31 =	sshrl.u32 s13, $0x2;
	s13 =	sadd.s32 $0x0, s14  }
0x33: {  	s15 =	simm.s32 $0x4;
	s12 =	sor.u32 $0x2000, s31;
	s16 =	sadd.s32 $0x20, s16;
	[tilespmem:s13+$0x810 ss:$0x81] =	vst.msk $0xffff, v1  }
.LBB1_3:
0x34: {  	v1 =	vld [tilespmem:s16+$0x0];
	p1 =	sne.s32 s15, $0x1FC;
	[tilespmem:s13+$0x0 ss:$0x81] =	vst.msk $0xffff, v0;
	s13 =	smov.u32 s15;
	s15 =	sadd.s32 $0x4, s15  }
.Ltmp3:
0x35: {  	v0 =	vld [tilespmem:s16+$0xFFFFFFF0];
	(pc) =	sbr.rel @p1 .LBB1_3-.Ltmp3, $4  }
0x36: {  	_ = 	snop  }
0x37: {  	s13 =	sshra.s32 s13, $0x2  }
0x38: {  	s13 =	sadd.s32 s13, s14  }
0x39: {  	s16 =	sadd.s32 $0x20, s16;
	[tilespmem:s13+$0x810 ss:$0x81] =	vst.msk $0xffff, v1  }
0x3a: {  	s14 =	sshll.u32 s11, $0x3  }
0x3b: {  	s14 =	sand.u32 $0xFFFFFC00, s14  }
0x3c: {  	s15 =	sshrl.u32 s14, $0x8  }
0x3d: {  	s15 =	smulhi.u32 $0x9DE4F1, s15;
	_ =	sdelay $0x1  }
0x3e: {  	s15 =	sshrl.u32 s15, $0x4  }
0x3f: {  	s28 =	sand.u32 $0x7F, s11;
	s16 =	smul.u32 $0x19F100, s15  }
0x40: {  	s11 =	sor.u32 s28, s14  }
.Ltmp4:
0x41: {  	s29 =	sand.u32 $0x1F, s15;
	s11 =	ssub.s32 s11, s16;
	(pc) =	sbr.rel .LBB1_5-.Ltmp4, $4  }
0x42: {  	s14 =	smul.u32 $0x33E20, s29;
	s30 =	sshrl.u32 s11, $0x3;
	s11 =	sand.u32 $0x7, s11  }
0x43: {  	s15 =	sadd.s32 s2, s30;
	s11 =	sshll.u32 s11, $0x12  }
0x44: {  	[tilespmem:s13+$0x0 ss:$0x81] =	vst.msk $0xffff, v0;
	s31 =	sadd.s32 s14, s15;
	s11 =	sor.u32 $0x400, s11  }
0x45: {  	[hbm4b:s31+s11] =	stream.strided.scatter [tilespmem:s12], [sflag:$0x2], $0x1000, s8, s11, $0x20;
	[tilespmem:$0x4040] =	vst v63  }
.LBB1_6:
0x46: {  	_ =	sfence.sel $0x180000  }
0x47: {  	s2 =	simm.s32 $0x1;
	[bflag:$0x0] =	sbarrier.arrive $0xFFFF  }
0x48: {  	s31 =	simm.s32 $0x2;
	[sflag:s2] =	ssyncpa.u1 $0x1  }
0x49: {  	[sflag:s31] =	ssyncpa.u1 $0x1  }
0x4a: {  	p0 =	sne.s32 s1, $0x0;
	_ =	strace $0x9000005B  }
0x4b: {  	s0 =	sadd.s32 @!p0 $0x100000, s0;
	[bflag:$0x2] =	sbarrier.arrive $0xFFFF  }
0x4c: {  	[sflag:s0] =	ssyncadd.tile.s32 @!p0 $0x1;
	_ =	shalt  }
.Lfunc_end1:
_tile_overlayer_lowered:
.L_overlay_start_2:
0x4d: {  	(tag) =	ssettag $0x2  }
0x4e: {  	s0 =	rddreg [dreg:$0x0];
	s2 =	stileid.u32  }
0x4f: {  	s1 =	rddreg [dreg:$0x1];
	p0 =	sne.s32 s2, $0x0  }
0x50: {  	s3 =	rddreg [dreg:$0x2];
	[bflag:$0x3] =	sbarrier.arrive $0xFFFF;
	s2 =	simm.s32 @!p0 $0x1C01  }
0x51: {  	[timem:s3], [sflag:s2] =	dma.local @!p0 [hbm:s0], s1  }
0x52: {  	s0 =	simm.s32 @!p0 $0x1  }
0x53: {  	_ =	swait.ge @!p0 [sflag:s0], s1  }
0x54: {  	s1 =	ssub.s32 @!p0 $0x0, s1;
	[sflag:s0] =	ssyncset.done @!p0 $0x0  }
0x55: {  	[sflag:s0] =	ssyncadd.s32 @!p0 s1  }
0x56: {  	[bflag:$0x3] =	sbarrier.arrive $0xFFFF  }
0x57: {  	_ =	shalt  }

</sc_bundles>
